<compile_context>
chip_gen: v7x
topology: tpu7x:2x2x1
jax: 0.10.2.dev20260603
libtpu: 0.0.44.dev20260713+nightly
codegen_flags: <defaults>
</compile_context>

<pallas_src>
import functools
import jax
import jax.numpy as jnp
from jax import lax
from jax.experimental import pallas as pl
from jax.experimental.pallas import tpu as pltpu
from jax.experimental.pallas import tpu_sc as plsc

H = 8
D = 128
G1 = 1025
NP = 1040
B = 16
BB = 2
HALF = 512

NW = 32
ROWS = B * NP
RPW = ROWS // NW
CHUNK = 104
NCHUNK = RPW // CHUNK


def _sc_gather_body(hflat, gpre, gpost, opre, opost, idx_v, rows_v, sem):
    wid = lax.axis_index("s") * 2 + lax.axis_index("c")
    base = wid * RPW
    for idx_hbm, out_hbm in ((gpost, opost), (gpre, opre)):
        pltpu.sync_copy(idx_hbm.at[pl.ds(base, RPW)], idx_v)
        copies = [
            pltpu.async_copy(
                hflat.at[idx_v.at[pl.ds(c * CHUNK, CHUNK)]],
                rows_v.at[pl.ds(c * CHUNK, CHUNK)],
                sem,
            )
            for c in range(NCHUNK)
        ]
        for cp in copies:
            cp.wait()
        pltpu.sync_copy(rows_v, out_hbm.at[pl.ds(base, RPW)])


_sc_gather = functools.partial(
    pl.kernel,
    out_type=[
        jax.ShapeDtypeStruct((ROWS, D), jnp.float32),
        jax.ShapeDtypeStruct((ROWS, D), jnp.float32),
    ],
    mesh=plsc.VectorSubcoreMesh(core_axis_name="c", subcore_axis_name="s"),
    scratch_types=[
        pltpu.VMEM((RPW,), jnp.int32),
        pltpu.VMEM((RPW, D), jnp.float32),
        pltpu.SemaphoreType.DMA,
    ],
)(_sc_gather_body)


def _tc_body(h_ref, hpre_ref, hpost_ref, sel_ref, WQ_ref, WK_ref,
             W1_ref, b1_ref, W2_ref, b2_ref, W3_ref, b3_ref,
             out_ref, A_ref, Alo_ref, G_ref):
    b = pl.program_id(0)

    @pl.when(b == 0)
    def _():
        for hh in range(H):
            Ah = jnp.dot(WQ_ref[hh], WK_ref[hh].T,
                         preferred_element_type=jnp.float32)
            Ahi = Ah.astype(jnp.bfloat16)
            A_ref[:, hh * D:(hh + 1) * D] = Ahi
            Alo_ref[:, hh * D:(hh + 1) * D] = (
                Ah - Ahi.astype(jnp.float32)).astype(jnp.bfloat16)
        krow = lax.broadcasted_iota(jnp.int32, (H * D, H), 0) // D
        hcol = lax.broadcasted_iota(jnp.int32, (H * D, H), 1)
        S = jnp.where(krow == hcol, 1.0, 0.0).astype(jnp.float32)
        G_ref[:, :32] = jnp.dot(S, W1_ref[0:8, :],
                                preferred_element_type=jnp.float32,
                                precision=lax.Precision.HIGHEST)
        G_ref[:, 32:] = jnp.dot(S, W1_ref[8:16, :],
                                preferred_element_type=jnp.float32,
                                precision=lax.Precision.HIGHEST)

    h = h_ref[...].reshape(BB * NP, D)
    hpre = hpre_ref[...].reshape(BB * NP, D)
    hpost = hpost_ref[...].reshape(BB * NP, D)
    hb = h.astype(jnp.bfloat16)
    hpb = hpre.astype(jnp.bfloat16)
    Ahi = A_ref[:, :]
    Alo = Alo_ref[:, :]
    U = (jnp.dot(hb, Ahi, preferred_element_type=jnp.float32)
         + jnp.dot(hb, Alo, preferred_element_type=jnp.float32))
    V = (jnp.dot(hpb, Ahi, preferred_element_type=jnp.float32)
         + jnp.dot(hpb, Alo, preferred_element_type=jnp.float32))
    w = h - hpost
    P_parts = []
    for hh in range(H):
        sl = slice(hh * D, (hh + 1) * D)
        P_parts.append(V[:, sl] * w + U[:, sl] * hpost)
    P = jnp.concatenate(P_parts, axis=1)
    T = jnp.dot(P, G_ref[:, :], preferred_element_type=jnp.float32)
    t_parts = [T[i * NP + 1:i * NP + HALF + 1, :32]
               + T[i * NP + HALF + 1:i * NP + 2 * HALF + 1, 32:]
               for i in range(BB)]
    x = jnp.maximum(
        jnp.concatenate(t_parts, axis=0)
        + jnp.dot(sel_ref[...].reshape(BB * HALF, 4), W1_ref[16:20, :],
                  preferred_element_type=jnp.float32)
        + b1_ref[:, :], 0.0)
    x = jnp.maximum(
        jnp.dot(x, W2_ref[:, :], preferred_element_type=jnp.float32)
        + b2_ref[:, :], 0.0)
    y = (jnp.dot(x, W3_ref[:, :], preferred_element_type=jnp.float32)
         + b3_ref[:, :])
    out_ref[...] = y.reshape(1, 1, BB * HALF)


def _tc_compute(h_hat, hpre, hpost, sel, W_Q, W_K, W1, b1, W2, b2, W3, b3):
    return pl.pallas_call(
        _tc_body,
        grid=(B // BB,),
        in_specs=[
            pl.BlockSpec((BB, NP, D), lambda b: (b, 0, 0)),
            pl.BlockSpec((BB, NP, D), lambda b: (b, 0, 0)),
            pl.BlockSpec((BB, NP, D), lambda b: (b, 0, 0)),
            pl.BlockSpec((BB, HALF, 4), lambda b: (b, 0, 0)),
            pl.BlockSpec((H, D, D), lambda b: (0, 0, 0)),
            pl.BlockSpec((H, D, D), lambda b: (0, 0, 0)),
            pl.BlockSpec((2 * H + 4, 32), lambda b: (0, 0)),
            pl.BlockSpec((1, 32), lambda b: (0, 0)),
            pl.BlockSpec((32, 32), lambda b: (0, 0)),
            pl.BlockSpec((1, 32), lambda b: (0, 0)),
            pl.BlockSpec((32, 1), lambda b: (0, 0)),
            pl.BlockSpec((1, 1), lambda b: (0, 0)),
        ],
        out_specs=pl.BlockSpec((1, 1, BB * HALF), lambda b: (b, 0, 0)),
        out_shape=jax.ShapeDtypeStruct((B // BB, 1, BB * HALF), jnp.float32),
        scratch_shapes=[pltpu.VMEM((D, H * D), jnp.bfloat16),
                        pltpu.VMEM((D, H * D), jnp.bfloat16),
                        pltpu.VMEM((H * D, 64), jnp.float32)],
        compiler_params=pltpu.CompilerParams(
            dimension_semantics=("arbitrary",)),
    )(h_hat, hpre, hpost, sel, W_Q, W_K, W1, b1, W2, b2, W3, b3)


def kernel(h_hat, solution, selection_recent, W_Q, W_K, W1, b1, W2, b2, W3, b3):
    sol = solution.astype(jnp.int32)
    pre = jnp.argsort(sol, axis=1).astype(jnp.int32)

    hpad = jnp.pad(h_hat, ((0, 0), (0, NP - G1), (0, 0)))
    hflat = hpad.reshape(ROWS, D)
    rowoff = (jnp.arange(B, dtype=jnp.int32) * NP)[:, None]
    gpre = (jnp.pad(pre, ((0, 0), (0, NP - G1))) + rowoff).reshape(-1)
    gpost = (jnp.pad(sol, ((0, 0), (0, NP - G1))) + rowoff).reshape(-1)

    hpre_flat, hpost_flat = _sc_gather(hflat, gpre, gpost)
    hpre = hpre_flat.reshape(B, NP, D)
    hpost = hpost_flat.reshape(B, NP, D)

    sel = jnp.transpose(selection_recent, (0, 2, 1))
    out = _tc_compute(hpad, hpre, hpost, sel, W_Q, W_K,
                      W1, b1.reshape(1, -1), W2, b2.reshape(1, -1),
                      W3, b3.reshape(1, 1))
    return out.reshape(B, HALF)

# --- scband reference (transcript-rebuilt; emitter-appended) ---
"""Pipeline reference for scband-node-pair-removal-decoder-83820581749527 (READ-ONLY COPY).

The authoritative reference and input builder live on the scoring server;
editing this copy changes nothing except your own understanding.
"""

import jax, jax.numpy as jnp
import numpy as np

H = 8
D = 128
B = 16
G1 = 1025
HALF = G1 // 2


def _uniform_param(key, shape):
    stdv = 1.0 / np.sqrt(shape[-1])
    return jax.random.uniform(key, shape, minval=-stdv, maxval=stdv, dtype=jnp.float32)


def setup_inputs(seed: int = 0) -> dict:
    key = jax.random.key(seed)
    ks = jax.random.split(key, 12)
    h_hat = jax.random.normal(ks[0], (B, G1, D), dtype=jnp.float32)
    solution = jax.random.randint(ks[1], (B, G1), 0, G1)
    selection_recent = jax.random.uniform(ks[2], (B, 4, HALF), dtype=jnp.float32)
    W_Q = _uniform_param(ks[3], (H, D, D))
    W_K = _uniform_param(ks[4], (H, D, D))
    in_dim = 2 * H + 4
    W1 = _uniform_param(ks[5], (in_dim, 32))
    b1 = _uniform_param(ks[6], (32,))
    W2 = _uniform_param(ks[7], (32, 32))
    b2 = _uniform_param(ks[8], (32,))
    W3 = _uniform_param(ks[9], (32, 1))
    b3 = _uniform_param(ks[10], (1,))
    return {"h_hat": h_hat, "solution": solution, "selection_recent": selection_recent,
            "W_Q": W_Q, "W_K": W_K, "W1": W1, "b1": b1, "W2": W2, "b2": b2, "W3": W3, "b3": b3}


def reference(h_hat, solution, selection_recent, W_Q, W_K, W1, b1, W2, b2, W3, b3):
    pre = jnp.argsort(solution, axis=1)
    post = solution
    batch_size, g1, input_dim = h_hat.shape
    hflat = h_hat.reshape(-1, input_dim)
    hidden_Q = jnp.einsum('nd,hde->hne', hflat, W_Q).reshape(H, batch_size, g1, D)
    hidden_K = jnp.einsum('nd,hde->hne', hflat, W_K).reshape(H, batch_size, g1, D)
    idx_pre = jnp.broadcast_to(pre[None, :, :, None], hidden_Q.shape)
    Q_pre = jnp.take_along_axis(hidden_Q, idx_pre, axis=2)
    idx_post = jnp.broadcast_to(post[None, :, :, None], hidden_K.shape)
    K_post = jnp.take_along_axis(hidden_K, idx_post, axis=2)
    compatibility = ((Q_pre * hidden_K).sum(-1) + (hidden_Q * K_post).sum(-1) - (Q_pre * K_post).sum(-1))[:, :, 1:]
    half = g1 // 2
    pairing = jnp.concatenate([compatibility[:, :, :half], compatibility[:, :, half:]], axis=0)
    feat = jnp.concatenate([jnp.transpose(pairing, (1, 2, 0)), jnp.transpose(selection_recent, (0, 2, 1))], axis=-1)
    x = jax.nn.relu(feat @ W1 + b1)
    x = jax.nn.relu(x @ W2 + b2)
    out = (x @ W3 + b3).squeeze(-1)
    return out

if __name__ == "__main__":
    import jax
    _d = setup_inputs()
    print(jax.jit(kernel)(*tuple(_d.values())))

</pallas_src>

<mosaic_0001>
#map = affine_map<(d0, d1) -> (0, 0)>
#map1 = affine_map<(d0, d1) -> (0)>
module attributes {stable_mosaic.version = 14 : i64} {
  func.func @_sc_gather_body(%arg0: i32, %arg1: i32, %arg2: memref<16640x128xf32, #tpu.memory_space<hbm>>, %arg3: memref<16640xi32, #tpu.memory_space<hbm>>, %arg4: memref<16640xi32, #tpu.memory_space<hbm>>, %arg5: memref<16640x128xf32, #tpu.memory_space<hbm>>, %arg6: memref<16640x128xf32, #tpu.memory_space<hbm>>, %arg7: memref<520xi32, #tpu.memory_space<vmem>>, %arg8: memref<520x128xf32, #tpu.memory_space<vmem>>, %arg9: memref<!tpu.dma_semaphore, #tpu.memory_space<semaphore_mem>>) attributes {dimension_semantics = [#tpu.dimension_semantics<core_parallel>, #tpu.dimension_semantics<subcore_parallel>], iteration_bounds = array<i64: 2, 16>, scalar_prefetch = 0 : i64, scratch_operands = 3 : i64, tpu.core_type = #tpu.core_type<sc_vector_subcore>, window_params = [{transform_indices = #map}, {transform_indices = #map1}, {transform_indices = #map1}, {transform_indices = #map}, {transform_indices = #map}]} {
    %mul3A = arith.constant 2 : i32
    %mul3A_0 = arith.muli %arg1, %mul3A : i32
    %add3A = arith.addi %mul3A_0, %arg0 : i32
    %mul3A_1 = arith.constant 520 : i32
    %mul3A_2 = arith.muli %add3A, %mul3A_1 : i32
    "tpu.region"() ({
      %run_scoped3A = tpu.sem_alloc : memref<!tpu.dma_semaphore, #tpu.memory_space<semaphore_mem>>
      %dma_start3A_161 = tpu.memref_slice %arg4[%mul3A_2] : memref<16640xi32, #tpu.memory_space<hbm>> -> memref<520xi32, #tpu.memory_space<hbm>>
      %dma_start3A_162 = tpu.memref_slice %arg4[%mul3A_2] : memref<16640xi32, #tpu.memory_space<hbm>> -> memref<520xi32, #tpu.memory_space<hbm>>
      tpu.enqueue_dma source(%dma_start3A_162 : memref<520xi32, #tpu.memory_space<hbm>>) target(%arg7 : memref<520xi32, #tpu.memory_space<vmem>>) target_semaphore(%run_scoped3A : memref<!tpu.dma_semaphore, #tpu.memory_space<semaphore_mem>>)
      %dma_wait3A_163 = tpu.memref_slice %arg4[%mul3A_2] : memref<16640xi32, #tpu.memory_space<hbm>> -> memref<520xi32, #tpu.memory_space<hbm>>
      %dma_wait3A_164 = tpu.memref_slice %arg4[%mul3A_2] : memref<16640xi32, #tpu.memory_space<hbm>> -> memref<520xi32, #tpu.memory_space<hbm>>
      tpu.wait_dma2 semaphore(%run_scoped3A : memref<!tpu.dma_semaphore, #tpu.memory_space<semaphore_mem>>) src(%dma_wait3A_164 : memref<520xi32, #tpu.memory_space<hbm>>) dst(%arg7 : memref<520xi32, #tpu.memory_space<vmem>>)
      tpu.yield
    }) : () -> ()
    %dma_start3A = arith.constant 0 : i32
    %dma_start3A_3 = arith.constant 0 : i32
    %dma_start3A_4 = tpu.memref_slice %arg8[%dma_start3A, %dma_start3A_3] : memref<520x128xf32, #tpu.memory_space<vmem>> -> memref<104x128xf32, #tpu.memory_space<vmem>>
    %dma_start3A_5 = arith.constant 0 : i32
    %dma_start3A_6 = tpu.memref_slice %arg7[%dma_start3A_5] : memref<520xi32, #tpu.memory_space<vmem>> -> memref<104xi32, #tpu.memory_space<vmem>>
    %dma_start3A_7 = arith.constant 0 : i32
    %dma_start3A_8 = arith.constant 0 : i32
    %dma_start3A_9 = tpu.memref_slice %arg2[%dma_start3A_7, %dma_start3A_8] : memref<16640x128xf32, #tpu.memory_space<hbm>> -> memref<16640x128xf32, #tpu.memory_space<hbm>>
    tpu.enqueue_indirect_dma source(%dma_start3A_9 : memref<16640x128xf32, #tpu.memory_space<hbm>>) target(%dma_start3A_4 : memref<104x128xf32, #tpu.memory_space<vmem>>) offsets(%dma_start3A_6 : memref<104xi32, #tpu.memory_space<vmem>>) semaphore(%arg9 : memref<!tpu.dma_semaphore, #tpu.memory_space<semaphore_mem>>)
    %dma_start3A_10 = arith.constant 104 : i32
    %dma_start3A_11 = arith.constant 0 : i32
    %dma_start3A_12 = tpu.memref_slice %arg8[%dma_start3A_10, %dma_start3A_11] : memref<520x128xf32, #tpu.memory_space<vmem>> -> memref<104x128xf32, #tpu.memory_space<vmem>>
    %dma_start3A_13 = arith.constant 104 : i32
    %dma_start3A_14 = tpu.memref_slice %arg7[%dma_start3A_13] : memref<520xi32, #tpu.memory_space<vmem>> -> memref<104xi32, #tpu.memory_space<vmem>>
    %dma_start3A_15 = arith.constant 0 : i32
    %dma_start3A_16 = arith.constant 0 : i32
    %dma_start3A_17 = tpu.memref_slice %arg2[%dma_start3A_15, %dma_start3A_16] : memref<16640x128xf32, #tpu.memory_space<hbm>> -> memref<16640x128xf32, #tpu.memory_space<hbm>>
    tpu.enqueue_indirect_dma source(%dma_start3A_17 : memref<16640x128xf32, #tpu.memory_space<hbm>>) target(%dma_start3A_12 : memref<104x128xf32, #tpu.memory_space<vmem>>) offsets(%dma_start3A_14 : memref<104xi32, #tpu.memory_space<vmem>>) semaphore(%arg9 : memref<!tpu.dma_semaphore, #tpu.memory_space<semaphore_mem>>)
    %dma_start3A_18 = arith.constant 208 : i32
    %dma_start3A_19 = arith.constant 0 : i32
    %dma_start3A_20 = tpu.memref_slice %arg8[%dma_start3A_18, %dma_start3A_19] : memref<520x128xf32, #tpu.memory_space<vmem>> -> memref<104x128xf32, #tpu.memory_space<vmem>>
    %dma_start3A_21 = arith.constant 208 : i32
    %dma_start3A_22 = tpu.memref_slice %arg7[%dma_start3A_21] : memref<520xi32, #tpu.memory_space<vmem>> -> memref<104xi32, #tpu.memory_space<vmem>>
    %dma_start3A_23 = arith.constant 0 : i32
    %dma_start3A_24 = arith.constant 0 : i32
    %dma_start3A_25 = tpu.memref_slice %arg2[%dma_start3A_23, %dma_start3A_24] : memref<16640x128xf32, #tpu.memory_space<hbm>> -> memref<16640x128xf32, #tpu.memory_space<hbm>>
    tpu.enqueue_indirect_dma source(%dma_start3A_25 : memref<16640x128xf32, #tpu.memory_space<hbm>>) target(%dma_start3A_20 : memref<104x128xf32, #tpu.memory_space<vmem>>) offsets(%dma_start3A_22 : memref<104xi32, #tpu.memory_space<vmem>>) semaphore(%arg9 : memref<!tpu.dma_semaphore, #tpu.memory_space<semaphore_mem>>)
    %dma_start3A_26 = arith.constant 312 : i32
    %dma_start3A_27 = arith.constant 0 : i32
    %dma_start3A_28 = tpu.memref_slice %arg8[%dma_start3A_26, %dma_start3A_27] : memref<520x128xf32, #tpu.memory_space<vmem>> -> memref<104x128xf32, #tpu.memory_space<vmem>>
    %dma_start3A_29 = arith.constant 312 : i32
    %dma_start3A_30 = tpu.memref_slice %arg7[%dma_start3A_29] : memref<520xi32, #tpu.memory_space<vmem>> -> memref<104xi32, #tpu.memory_space<vmem>>
    %dma_start3A_31 = arith.constant 0 : i32
    %dma_start3A_32 = arith.constant 0 : i32
    %dma_start3A_33 = tpu.memref_slice %arg2[%dma_start3A_31, %dma_start3A_32] : memref<16640x128xf32, #tpu.memory_space<hbm>> -> memref<16640x128xf32, #tpu.memory_space<hbm>>
    tpu.enqueue_indirect_dma source(%dma_start3A_33 : memref<16640x128xf32, #tpu.memory_space<hbm>>) target(%dma_start3A_28 : memref<104x128xf32, #tpu.memory_space<vmem>>) offsets(%dma_start3A_30 : memref<104xi32, #tpu.memory_space<vmem>>) semaphore(%arg9 : memref<!tpu.dma_semaphore, #tpu.memory_space<semaphore_mem>>)
    %dma_start3A_34 = arith.constant 416 : i32
    %dma_start3A_35 = arith.constant 0 : i32
    %dma_start3A_36 = tpu.memref_slice %arg8[%dma_start3A_34, %dma_start3A_35] : memref<520x128xf32, #tpu.memory_space<vmem>> -> memref<104x128xf32, #tpu.memory_space<vmem>>
    %dma_start3A_37 = arith.constant 416 : i32
    %dma_start3A_38 = tpu.memref_slice %arg7[%dma_start3A_37] : memref<520xi32, #tpu.memory_space<vmem>> -> memref<104xi32, #tpu.memory_space<vmem>>
    %dma_start3A_39 = arith.constant 0 : i32
    %dma_start3A_40 = arith.constant 0 : i32
    %dma_start3A_41 = tpu.memref_slice %arg2[%dma_start3A_39, %dma_start3A_40] : memref<16640x128xf32, #tpu.memory_space<hbm>> -> memref<16640x128xf32, #tpu.memory_space<hbm>>
    tpu.enqueue_indirect_dma source(%dma_start3A_41 : memref<16640x128xf32, #tpu.memory_space<hbm>>) target(%dma_start3A_36 : memref<104x128xf32, #tpu.memory_space<vmem>>) offsets(%dma_start3A_38 : memref<104xi32, #tpu.memory_space<vmem>>) semaphore(%arg9 : memref<!tpu.dma_semaphore, #tpu.memory_space<semaphore_mem>>)
    %dma_wait3A = arith.constant 0 : i32
    %dma_wait3A_42 = arith.constant 0 : i32
    %dma_wait3A_43 = tpu.memref_slice %arg8[%dma_wait3A, %dma_wait3A_42] : memref<520x128xf32, #tpu.memory_space<vmem>> -> memref<104x128xf32, #tpu.memory_space<vmem>>
    %dma_wait3A_44 = arith.constant 0 : i32
    %dma_wait3A_45 = tpu.memref_slice %arg7[%dma_wait3A_44] : memref<520xi32, #tpu.memory_space<vmem>> -> memref<104xi32, #tpu.memory_space<vmem>>
    %dma_wait3A_46 = arith.constant 0 : i32
    %dma_wait3A_47 = arith.constant 0 : i32
    %dma_wait3A_48 = tpu.memref_slice %arg2[%dma_wait3A_46, %dma_wait3A_47] : memref<16640x128xf32, #tpu.memory_space<hbm>> -> memref<16640x128xf32, #tpu.memory_space<hbm>>
    tpu.wait_indirect_dma semaphore(%arg9 : memref<!tpu.dma_semaphore, #tpu.memory_space<semaphore_mem>>) src(%dma_wait3A_48 : memref<16640x128xf32, #tpu.memory_space<hbm>>) dst(%dma_wait3A_43 : memref<104x128xf32, #tpu.memory_space<vmem>>)
    %dma_wait3A_49 = arith.constant 104 : i32
    %dma_wait3A_50 = arith.constant 0 : i32
    %dma_wait3A_51 = tpu.memref_slice %arg8[%dma_wait3A_49, %dma_wait3A_50] : memref<520x128xf32, #tpu.memory_space<vmem>> -> memref<104x128xf32, #tpu.memory_space<vmem>>
    %dma_wait3A_52 = arith.constant 104 : i32
    %dma_wait3A_53 = tpu.memref_slice %arg7[%dma_wait3A_52] : memref<520xi32, #tpu.memory_space<vmem>> -> memref<104xi32, #tpu.memory_space<vmem>>
    %dma_wait3A_54 = arith.constant 0 : i32
    %dma_wait3A_55 = arith.constant 0 : i32
    %dma_wait3A_56 = tpu.memref_slice %arg2[%dma_wait3A_54, %dma_wait3A_55] : memref<16640x128xf32, #tpu.memory_space<hbm>> -> memref<16640x128xf32, #tpu.memory_space<hbm>>
    tpu.wait_indirect_dma semaphore(%arg9 : memref<!tpu.dma_semaphore, #tpu.memory_space<semaphore_mem>>) src(%dma_wait3A_56 : memref<16640x128xf32, #tpu.memory_space<hbm>>) dst(%dma_wait3A_51 : memref<104x128xf32, #tpu.memory_space<vmem>>)
    %dma_wait3A_57 = arith.constant 208 : i32
    %dma_wait3A_58 = arith.constant 0 : i32
    %dma_wait3A_59 = tpu.memref_slice %arg8[%dma_wait3A_57, %dma_wait3A_58] : memref<520x128xf32, #tpu.memory_space<vmem>> -> memref<104x128xf32, #tpu.memory_space<vmem>>
    %dma_wait3A_60 = arith.constant 208 : i32
    %dma_wait3A_61 = tpu.memref_slice %arg7[%dma_wait3A_60] : memref<520xi32, #tpu.memory_space<vmem>> -> memref<104xi32, #tpu.memory_space<vmem>>
    %dma_wait3A_62 = arith.constant 0 : i32
    %dma_wait3A_63 = arith.constant 0 : i32
    %dma_wait3A_64 = tpu.memref_slice %arg2[%dma_wait3A_62, %dma_wait3A_63] : memref<16640x128xf32, #tpu.memory_space<hbm>> -> memref<16640x128xf32, #tpu.memory_space<hbm>>
    tpu.wait_indirect_dma semaphore(%arg9 : memref<!tpu.dma_semaphore, #tpu.memory_space<semaphore_mem>>) src(%dma_wait3A_64 : memref<16640x128xf32, #tpu.memory_space<hbm>>) dst(%dma_wait3A_59 : memref<104x128xf32, #tpu.memory_space<vmem>>)
    %dma_wait3A_65 = arith.constant 312 : i32
    %dma_wait3A_66 = arith.constant 0 : i32
    %dma_wait3A_67 = tpu.memref_slice %arg8[%dma_wait3A_65, %dma_wait3A_66] : memref<520x128xf32, #tpu.memory_space<vmem>> -> memref<104x128xf32, #tpu.memory_space<vmem>>
    %dma_wait3A_68 = arith.constant 312 : i32
    %dma_wait3A_69 = tpu.memref_slice %arg7[%dma_wait3A_68] : memref<520xi32, #tpu.memory_space<vmem>> -> memref<104xi32, #tpu.memory_space<vmem>>
    %dma_wait3A_70 = arith.constant 0 : i32
    %dma_wait3A_71 = arith.constant 0 : i32
    %dma_wait3A_72 = tpu.memref_slice %arg2[%dma_wait3A_70, %dma_wait3A_71] : memref<16640x128xf32, #tpu.memory_space<hbm>> -> memref<16640x128xf32, #tpu.memory_space<hbm>>
    tpu.wait_indirect_dma semaphore(%arg9 : memref<!tpu.dma_semaphore, #tpu.memory_space<semaphore_mem>>) src(%dma_wait3A_72 : memref<16640x128xf32, #tpu.memory_space<hbm>>) dst(%dma_wait3A_67 : memref<104x128xf32, #tpu.memory_space<vmem>>)
    %dma_wait3A_73 = arith.constant 416 : i32
    %dma_wait3A_74 = arith.constant 0 : i32
    %dma_wait3A_75 = tpu.memref_slice %arg8[%dma_wait3A_73, %dma_wait3A_74] : memref<520x128xf32, #tpu.memory_space<vmem>> -> memref<104x128xf32, #tpu.memory_space<vmem>>
    %dma_wait3A_76 = arith.constant 416 : i32
    %dma_wait3A_77 = tpu.memref_slice %arg7[%dma_wait3A_76] : memref<520xi32, #tpu.memory_space<vmem>> -> memref<104xi32, #tpu.memory_space<vmem>>
    %dma_wait3A_78 = arith.constant 0 : i32
    %dma_wait3A_79 = arith.constant 0 : i32
    %dma_wait3A_80 = tpu.memref_slice %arg2[%dma_wait3A_78, %dma_wait3A_79] : memref<16640x128xf32, #tpu.memory_space<hbm>> -> memref<16640x128xf32, #tpu.memory_space<hbm>>
    tpu.wait_indirect_dma semaphore(%arg9 : memref<!tpu.dma_semaphore, #tpu.memory_space<semaphore_mem>>) src(%dma_wait3A_80 : memref<16640x128xf32, #tpu.memory_space<hbm>>) dst(%dma_wait3A_75 : memref<104x128xf32, #tpu.memory_space<vmem>>)
    "tpu.region"() ({
      %run_scoped3A = tpu.sem_alloc : memref<!tpu.dma_semaphore, #tpu.memory_space<semaphore_mem>>
      %dma_start3A_161 = arith.constant 0 : i32
      %dma_start3A_162 = tpu.memref_slice %arg6[%mul3A_2, %dma_start3A_161] : memref<16640x128xf32, #tpu.memory_space<hbm>> -> memref<520x128xf32, #tpu.memory_space<hbm>>
      %dma_start3A_163 = arith.constant 0 : i32
      %dma_start3A_164 = tpu.memref_slice %arg6[%mul3A_2, %dma_start3A_163] : memref<16640x128xf32, #tpu.memory_space<hbm>> -> memref<520x128xf32, #tpu.memory_space<hbm>>
      tpu.enqueue_dma source(%arg8 : memref<520x128xf32, #tpu.memory_space<vmem>>) target(%dma_start3A_164 : memref<520x128xf32, #tpu.memory_space<hbm>>) target_semaphore(%run_scoped3A : memref<!tpu.dma_semaphore, #tpu.memory_space<semaphore_mem>>)
      %dma_wait3A_165 = arith.constant 0 : i32
      %dma_wait3A_166 = tpu.memref_slice %arg6[%mul3A_2, %dma_wait3A_165] : memref<16640x128xf32, #tpu.memory_space<hbm>> -> memref<520x128xf32, #tpu.memory_space<hbm>>
      %dma_wait3A_167 = arith.constant 0 : i32
      %dma_wait3A_168 = tpu.memref_slice %arg6[%mul3A_2, %dma_wait3A_167] : memref<16640x128xf32, #tpu.memory_space<hbm>> -> memref<520x128xf32, #tpu.memory_space<hbm>>
      tpu.wait_dma2 semaphore(%run_scoped3A : memref<!tpu.dma_semaphore, #tpu.memory_space<semaphore_mem>>) src(%arg8 : memref<520x128xf32, #tpu.memory_space<vmem>>) dst(%dma_wait3A_168 : memref<520x128xf32, #tpu.memory_space<hbm>>)
      tpu.yield
    }) : () -> ()
    "tpu.region"() ({
      %run_scoped3A = tpu.sem_alloc : memref<!tpu.dma_semaphore, #tpu.memory_space<semaphore_mem>>
      %dma_start3A_161 = tpu.memref_slice %arg3[%mul3A_2] : memref<16640xi32, #tpu.memory_space<hbm>> -> memref<520xi32, #tpu.memory_space<hbm>>
      %dma_start3A_162 = tpu.memref_slice %arg3[%mul3A_2] : memref<16640xi32, #tpu.memory_space<hbm>> -> memref<520xi32, #tpu.memory_space<hbm>>
      tpu.enqueue_dma source(%dma_start3A_162 : memref<520xi32, #tpu.memory_space<hbm>>) target(%arg7 : memref<520xi32, #tpu.memory_space<vmem>>) target_semaphore(%run_scoped3A : memref<!tpu.dma_semaphore, #tpu.memory_space<semaphore_mem>>)
      %dma_wait3A_163 = tpu.memref_slice %arg3[%mul3A_2] : memref<16640xi32, #tpu.memory_space<hbm>> -> memref<520xi32, #tpu.memory_space<hbm>>
      %dma_wait3A_164 = tpu.memref_slice %arg3[%mul3A_2] : memref<16640xi32, #tpu.memory_space<hbm>> -> memref<520xi32, #tpu.memory_space<hbm>>
      tpu.wait_dma2 semaphore(%run_scoped3A : memref<!tpu.dma_semaphore, #tpu.memory_space<semaphore_mem>>) src(%dma_wait3A_164 : memref<520xi32, #tpu.memory_space<hbm>>) dst(%arg7 : memref<520xi32, #tpu.memory_space<vmem>>)
      tpu.yield
    }) : () -> ()
    %dma_start3A_81 = arith.constant 0 : i32
    %dma_start3A_82 = arith.constant 0 : i32
    %dma_start3A_83 = tpu.memref_slice %arg8[%dma_start3A_81, %dma_start3A_82] : memref<520x128xf32, #tpu.memory_space<vmem>> -> memref<104x128xf32, #tpu.memory_space<vmem>>
    %dma_start3A_84 = arith.constant 0 : i32
    %dma_start3A_85 = tpu.memref_slice %arg7[%dma_start3A_84] : memref<520xi32, #tpu.memory_space<vmem>> -> memref<104xi32, #tpu.memory_space<vmem>>
    %dma_start3A_86 = arith.constant 0 : i32
    %dma_start3A_87 = arith.constant 0 : i32
    %dma_start3A_88 = tpu.memref_slice %arg2[%dma_start3A_86, %dma_start3A_87] : memref<16640x128xf32, #tpu.memory_space<hbm>> -> memref<16640x128xf32, #tpu.memory_space<hbm>>
    tpu.enqueue_indirect_dma source(%dma_start3A_88 : memref<16640x128xf32, #tpu.memory_space<hbm>>) target(%dma_start3A_83 : memref<104x128xf32, #tpu.memory_space<vmem>>) offsets(%dma_start3A_85 : memref<104xi32, #tpu.memory_space<vmem>>) semaphore(%arg9 : memref<!tpu.dma_semaphore, #tpu.memory_space<semaphore_mem>>)
    %dma_start3A_89 = arith.constant 104 : i32
    %dma_start3A_90 = arith.constant 0 : i32
    %dma_start3A_91 = tpu.memref_slice %arg8[%dma_start3A_89, %dma_start3A_90] : memref<520x128xf32, #tpu.memory_space<vmem>> -> memref<104x128xf32, #tpu.memory_space<vmem>>
    %dma_start3A_92 = arith.constant 104 : i32
    %dma_start3A_93 = tpu.memref_slice %arg7[%dma_start3A_92] : memref<520xi32, #tpu.memory_space<vmem>> -> memref<104xi32, #tpu.memory_space<vmem>>
    %dma_start3A_94 = arith.constant 0 : i32
    %dma_start3A_95 = arith.constant 0 : i32
    %dma_start3A_96 = tpu.memref_slice %arg2[%dma_start3A_94, %dma_start3A_95] : memref<16640x128xf32, #tpu.memory_space<hbm>> -> memref<16640x128xf32, #tpu.memory_space<hbm>>
    tpu.enqueue_indirect_dma source(%dma_start3A_96 : memref<16640x128xf32, #tpu.memory_space<hbm>>) target(%dma_start3A_91 : memref<104x128xf32, #tpu.memory_space<vmem>>) offsets(%dma_start3A_93 : memref<104xi32, #tpu.memory_space<vmem>>) semaphore(%arg9 : memref<!tpu.dma_semaphore, #tpu.memory_space<semaphore_mem>>)
    %dma_start3A_97 = arith.constant 208 : i32
    %dma_start3A_98 = arith.constant 0 : i32
    %dma_start3A_99 = tpu.memref_slice %arg8[%dma_start3A_97, %dma_start3A_98] : memref<520x128xf32, #tpu.memory_space<vmem>> -> memref<104x128xf32, #tpu.memory_space<vmem>>
    %dma_start3A_100 = arith.constant 208 : i32
    %dma_start3A_101 = tpu.memref_slice %arg7[%dma_start3A_100] : memref<520xi32, #tpu.memory_space<vmem>> -> memref<104xi32, #tpu.memory_space<vmem>>
    %dma_start3A_102 = arith.constant 0 : i32
    %dma_start3A_103 = arith.constant 0 : i32
    %dma_start3A_104 = tpu.memref_slice %arg2[%dma_start3A_102, %dma_start3A_103] : memref<16640x128xf32, #tpu.memory_space<hbm>> -> memref<16640x128xf32, #tpu.memory_space<hbm>>
    tpu.enqueue_indirect_dma source(%dma_start3A_104 : memref<16640x128xf32, #tpu.memory_space<hbm>>) target(%dma_start3A_99 : memref<104x128xf32, #tpu.memory_space<vmem>>) offsets(%dma_start3A_101 : memref<104xi32, #tpu.memory_space<vmem>>) semaphore(%arg9 : memref<!tpu.dma_semaphore, #tpu.memory_space<semaphore_mem>>)
    %dma_start3A_105 = arith.constant 312 : i32
    %dma_start3A_106 = arith.constant 0 : i32
    %dma_start3A_107 = tpu.memref_slice %arg8[%dma_start3A_105, %dma_start3A_106] : memref<520x128xf32, #tpu.memory_space<vmem>> -> memref<104x128xf32, #tpu.memory_space<vmem>>
    %dma_start3A_108 = arith.constant 312 : i32
    %dma_start3A_109 = tpu.memref_slice %arg7[%dma_start3A_108] : memref<520xi32, #tpu.memory_space<vmem>> -> memref<104xi32, #tpu.memory_space<vmem>>
    %dma_start3A_110 = arith.constant 0 : i32
    %dma_start3A_111 = arith.constant 0 : i32
    %dma_start3A_112 = tpu.memref_slice %arg2[%dma_start3A_110, %dma_start3A_111] : memref<16640x128xf32, #tpu.memory_space<hbm>> -> memref<16640x128xf32, #tpu.memory_space<hbm>>
    tpu.enqueue_indirect_dma source(%dma_start3A_112 : memref<16640x128xf32, #tpu.memory_space<hbm>>) target(%dma_start3A_107 : memref<104x128xf32, #tpu.memory_space<vmem>>) offsets(%dma_start3A_109 : memref<104xi32, #tpu.memory_space<vmem>>) semaphore(%arg9 : memref<!tpu.dma_semaphore, #tpu.memory_space<semaphore_mem>>)
    %dma_start3A_113 = arith.constant 416 : i32
    %dma_start3A_114 = arith.constant 0 : i32
    %dma_start3A_115 = tpu.memref_slice %arg8[%dma_start3A_113, %dma_start3A_114] : memref<520x128xf32, #tpu.memory_space<vmem>> -> memref<104x128xf32, #tpu.memory_space<vmem>>
    %dma_start3A_116 = arith.constant 416 : i32
    %dma_start3A_117 = tpu.memref_slice %arg7[%dma_start3A_116] : memref<520xi32, #tpu.memory_space<vmem>> -> memref<104xi32, #tpu.memory_space<vmem>>
    %dma_start3A_118 = arith.constant 0 : i32
    %dma_start3A_119 = arith.constant 0 : i32
    %dma_start3A_120 = tpu.memref_slice %arg2[%dma_start3A_118, %dma_start3A_119] : memref<16640x128xf32, #tpu.memory_space<hbm>> -> memref<16640x128xf32, #tpu.memory_space<hbm>>
    tpu.enqueue_indirect_dma source(%dma_start3A_120 : memref<16640x128xf32, #tpu.memory_space<hbm>>) target(%dma_start3A_115 : memref<104x128xf32, #tpu.memory_space<vmem>>) offsets(%dma_start3A_117 : memref<104xi32, #tpu.memory_space<vmem>>) semaphore(%arg9 : memref<!tpu.dma_semaphore, #tpu.memory_space<semaphore_mem>>)
    %dma_wait3A_121 = arith.constant 0 : i32
    %dma_wait3A_122 = arith.constant 0 : i32
    %dma_wait3A_123 = tpu.memref_slice %arg8[%dma_wait3A_121, %dma_wait3A_122] : memref<520x128xf32, #tpu.memory_space<vmem>> -> memref<104x128xf32, #tpu.memory_space<vmem>>
    %dma_wait3A_124 = arith.constant 0 : i32
    %dma_wait3A_125 = tpu.memref_slice %arg7[%dma_wait3A_124] : memref<520xi32, #tpu.memory_space<vmem>> -> memref<104xi32, #tpu.memory_space<vmem>>
    %dma_wait3A_126 = arith.constant 0 : i32
    %dma_wait3A_127 = arith.constant 0 : i32
    %dma_wait3A_128 = tpu.memref_slice %arg2[%dma_wait3A_126, %dma_wait3A_127] : memref<16640x128xf32, #tpu.memory_space<hbm>> -> memref<16640x128xf32, #tpu.memory_space<hbm>>
    tpu.wait_indirect_dma semaphore(%arg9 : memref<!tpu.dma_semaphore, #tpu.memory_space<semaphore_mem>>) src(%dma_wait3A_128 : memref<16640x128xf32, #tpu.memory_space<hbm>>) dst(%dma_wait3A_123 : memref<104x128xf32, #tpu.memory_space<vmem>>)
    %dma_wait3A_129 = arith.constant 104 : i32
    %dma_wait3A_130 = arith.constant 0 : i32
    %dma_wait3A_131 = tpu.memref_slice %arg8[%dma_wait3A_129, %dma_wait3A_130] : memref<520x128xf32, #tpu.memory_space<vmem>> -> memref<104x128xf32, #tpu.memory_space<vmem>>
    %dma_wait3A_132 = arith.constant 104 : i32
    %dma_wait3A_133 = tpu.memref_slice %arg7[%dma_wait3A_132] : memref<520xi32, #tpu.memory_space<vmem>> -> memref<104xi32, #tpu.memory_space<vmem>>
    %dma_wait3A_134 = arith.constant 0 : i32
    %dma_wait3A_135 = arith.constant 0 : i32
    %dma_wait3A_136 = tpu.memref_slice %arg2[%dma_wait3A_134, %dma_wait3A_135] : memref<16640x128xf32, #tpu.memory_space<hbm>> -> memref<16640x128xf32, #tpu.memory_space<hbm>>
    tpu.wait_indirect_dma semaphore(%arg9 : memref<!tpu.dma_semaphore, #tpu.memory_space<semaphore_mem>>) src(%dma_wait3A_136 : memref<16640x128xf32, #tpu.memory_space<hbm>>) dst(%dma_wait3A_131 : memref<104x128xf32, #tpu.memory_space<vmem>>)
    %dma_wait3A_137 = arith.constant 208 : i32
    %dma_wait3A_138 = arith.constant 0 : i32
    %dma_wait3A_139 = tpu.memref_slice %arg8[%dma_wait3A_137, %dma_wait3A_138] : memref<520x128xf32, #tpu.memory_space<vmem>> -> memref<104x128xf32, #tpu.memory_space<vmem>>
    %dma_wait3A_140 = arith.constant 208 : i32
    %dma_wait3A_141 = tpu.memref_slice %arg7[%dma_wait3A_140] : memref<520xi32, #tpu.memory_space<vmem>> -> memref<104xi32, #tpu.memory_space<vmem>>
    %dma_wait3A_142 = arith.constant 0 : i32
    %dma_wait3A_143 = arith.constant 0 : i32
    %dma_wait3A_144 = tpu.memref_slice %arg2[%dma_wait3A_142, %dma_wait3A_143] : memref<16640x128xf32, #tpu.memory_space<hbm>> -> memref<16640x128xf32, #tpu.memory_space<hbm>>
    tpu.wait_indirect_dma semaphore(%arg9 : memref<!tpu.dma_semaphore, #tpu.memory_space<semaphore_mem>>) src(%dma_wait3A_144 : memref<16640x128xf32, #tpu.memory_space<hbm>>) dst(%dma_wait3A_139 : memref<104x128xf32, #tpu.memory_space<vmem>>)
    %dma_wait3A_145 = arith.constant 312 : i32
    %dma_wait3A_146 = arith.constant 0 : i32
    %dma_wait3A_147 = tpu.memref_slice %arg8[%dma_wait3A_145, %dma_wait3A_146] : memref<520x128xf32, #tpu.memory_space<vmem>> -> memref<104x128xf32, #tpu.memory_space<vmem>>
    %dma_wait3A_148 = arith.constant 312 : i32
    %dma_wait3A_149 = tpu.memref_slice %arg7[%dma_wait3A_148] : memref<520xi32, #tpu.memory_space<vmem>> -> memref<104xi32, #tpu.memory_space<vmem>>
    %dma_wait3A_150 = arith.constant 0 : i32
    %dma_wait3A_151 = arith.constant 0 : i32
    %dma_wait3A_152 = tpu.memref_slice %arg2[%dma_wait3A_150, %dma_wait3A_151] : memref<16640x128xf32, #tpu.memory_space<hbm>> -> memref<16640x128xf32, #tpu.memory_space<hbm>>
    tpu.wait_indirect_dma semaphore(%arg9 : memref<!tpu.dma_semaphore, #tpu.memory_space<semaphore_mem>>) src(%dma_wait3A_152 : memref<16640x128xf32, #tpu.memory_space<hbm>>) dst(%dma_wait3A_147 : memref<104x128xf32, #tpu.memory_space<vmem>>)
    %dma_wait3A_153 = arith.constant 416 : i32
    %dma_wait3A_154 = arith.constant 0 : i32
    %dma_wait3A_155 = tpu.memref_slice %arg8[%dma_wait3A_153, %dma_wait3A_154] : memref<520x128xf32, #tpu.memory_space<vmem>> -> memref<104x128xf32, #tpu.memory_space<vmem>>
    %dma_wait3A_156 = arith.constant 416 : i32
    %dma_wait3A_157 = tpu.memref_slice %arg7[%dma_wait3A_156] : memref<520xi32, #tpu.memory_space<vmem>> -> memref<104xi32, #tpu.memory_space<vmem>>
    %dma_wait3A_158 = arith.constant 0 : i32
    %dma_wait3A_159 = arith.constant 0 : i32
    %dma_wait3A_160 = tpu.memref_slice %arg2[%dma_wait3A_158, %dma_wait3A_159] : memref<16640x128xf32, #tpu.memory_space<hbm>> -> memref<16640x128xf32, #tpu.memory_space<hbm>>
    tpu.wait_indirect_dma semaphore(%arg9 : memref<!tpu.dma_semaphore, #tpu.memory_space<semaphore_mem>>) src(%dma_wait3A_160 : memref<16640x128xf32, #tpu.memory_space<hbm>>) dst(%dma_wait3A_155 : memref<104x128xf32, #tpu.memory_space<vmem>>)
    "tpu.region"() ({
      %run_scoped3A = tpu.sem_alloc : memref<!tpu.dma_semaphore, #tpu.memory_space<semaphore_mem>>
      %dma_start3A_161 = arith.constant 0 : i32
      %dma_start3A_162 = tpu.memref_slice %arg5[%mul3A_2, %dma_start3A_161] : memref<16640x128xf32, #tpu.memory_space<hbm>> -> memref<520x128xf32, #tpu.memory_space<hbm>>
      %dma_start3A_163 = arith.constant 0 : i32
      %dma_start3A_164 = tpu.memref_slice %arg5[%mul3A_2, %dma_start3A_163] : memref<16640x128xf32, #tpu.memory_space<hbm>> -> memref<520x128xf32, #tpu.memory_space<hbm>>
      tpu.enqueue_dma source(%arg8 : memref<520x128xf32, #tpu.memory_space<vmem>>) target(%dma_start3A_164 : memref<520x128xf32, #tpu.memory_space<hbm>>) target_semaphore(%run_scoped3A : memref<!tpu.dma_semaphore, #tpu.memory_space<semaphore_mem>>)
      %dma_wait3A_165 = arith.constant 0 : i32
      %dma_wait3A_166 = tpu.memref_slice %arg5[%mul3A_2, %dma_wait3A_165] : memref<16640x128xf32, #tpu.memory_space<hbm>> -> memref<520x128xf32, #tpu.memory_space<hbm>>
      %dma_wait3A_167 = arith.constant 0 : i32
      %dma_wait3A_168 = tpu.memref_slice %arg5[%mul3A_2, %dma_wait3A_167] : memref<16640x128xf32, #tpu.memory_space<hbm>> -> memref<520x128xf32, #tpu.memory_space<hbm>>
      tpu.wait_dma2 semaphore(%run_scoped3A : memref<!tpu.dma_semaphore, #tpu.memory_space<semaphore_mem>>) src(%arg8 : memref<520x128xf32, #tpu.memory_space<vmem>>) dst(%dma_wait3A_168 : memref<520x128xf32, #tpu.memory_space<hbm>>)
      tpu.yield
    }) : () -> ()
    return
  }
}

module attributes {stable_mosaic.version = 14 : i64} {
  func.func @_tc_body(%arg0: i32, %arg1: memref<2x1040x128xf32, #tpu.memory_space<vmem>>, %arg2: memref<2x1040x128xf32, #tpu.memory_space<vmem>>, %arg3: memref<2x1040x128xf32, #tpu.memory_space<vmem>>, %arg4: memref<2x512x4xf32, #tpu.memory_space<vmem>>, %arg5: memref<8x128x128xf32, #tpu.memory_space<vmem>>, %arg6: memref<8x128x128xf32, #tpu.memory_space<vmem>>, %arg7: memref<20x32xf32, #tpu.memory_space<vmem>>, %arg8: memref<1x32xf32, #tpu.memory_space<vmem>>, %arg9: memref<32x32xf32, #tpu.memory_space<vmem>>, %arg10: memref<1x32xf32, #tpu.memory_space<vmem>>, %arg11: memref<32x1xf32, #tpu.memory_space<vmem>>, %arg12: memref<1x1xf32, #tpu.memory_space<vmem>>, %arg13: memref<1x1x1024xf32, #tpu.memory_space<vmem>>, %arg14: memref<128x1024xbf16, #tpu.memory_space<vmem>>, %arg15: memref<128x1024xbf16, #tpu.memory_space<vmem>>, %arg16: memref<1024x64xf32, #tpu.memory_space<vmem>>) attributes {dimension_semantics = [#tpu.dimension_semantics<arbitrary>], iteration_bounds = array<i64: 8>, scalar_prefetch = 0 : i64, scratch_operands = 3 : i64, tpu.core_type = #tpu.core_type<tc>, window_params = [{transform_indices = @transform_0, window_bounds = array<i64: 2, 1040, 128>}, {transform_indices = @transform_1, window_bounds = array<i64: 2, 1040, 128>}, {transform_indices = @transform_2, window_bounds = array<i64: 2, 1040, 128>}, {transform_indices = @transform_3, window_bounds = array<i64: 2, 512, 4>}, {pipeline_mode = #tpu.pipeline_mode<synchronous>, transform_indices = @transform_4, window_bounds = array<i64: 8, 128, 128>}, {pipeline_mode = #tpu.pipeline_mode<synchronous>, transform_indices = @transform_5, window_bounds = array<i64: 8, 128, 128>}, {pipeline_mode = #tpu.pipeline_mode<synchronous>, transform_indices = @transform_6, window_bounds = array<i64: 20, 32>}, {pipeline_mode = #tpu.pipeline_mode<synchronous>, transform_indices = @transform_7, window_bounds = array<i64: 1, 32>}, {pipeline_mode = #tpu.pipeline_mode<synchronous>, transform_indices = @transform_8, window_bounds = array<i64: 32, 32>}, {pipeline_mode = #tpu.pipeline_mode<synchronous>, transform_indices = @transform_9, window_bounds = array<i64: 1, 32>}, {pipeline_mode = #tpu.pipeline_mode<synchronous>, transform_indices = @transform_10, window_bounds = array<i64: 32, 1>}, {pipeline_mode = #tpu.pipeline_mode<synchronous>, transform_indices = @transform_11, window_bounds = array<i64: 1, 1>}, {transform_indices = @transform_12, window_bounds = array<i64: 1, 1, 1024>}]} {
    %eq3A = arith.constant 0 : i32
    %eq3A_0 = arith.cmpi eq, %arg0, %eq3A : i32
    %convert_element_type3A = arith.extui %eq3A_0 : i1 to i32
    %cond3A = arith.constant 0 : i32
    %cond3A_1 = arith.cmpi ne, %convert_element_type3A, %cond3A : i32
    scf.if %cond3A_1 {
      %get3A_126 = arith.constant 0 : index
      %get3A_127 = arith.constant 0 : index
      %get3A_128 = arith.constant 0 : index
      %get3A_129 = vector.load %arg5[%get3A_126, %get3A_127, %get3A_128] : memref<8x128x128xf32, #tpu.memory_space<vmem>>, vector<1x128x128xf32>
      %get3A_130 = vector.shape_cast %get3A_129 : vector<1x128x128xf32> to vector<128x128xf32>
      %get3A_131 = arith.constant 0 : index
      %get3A_132 = arith.constant 0 : index
      %get3A_133 = arith.constant 0 : index
      %get3A_134 = vector.load %arg6[%get3A_131, %get3A_132, %get3A_133] : memref<8x128x128xf32, #tpu.memory_space<vmem>>, vector<1x128x128xf32>
      %get3A_135 = vector.shape_cast %get3A_134 : vector<1x128x128xf32> to vector<128x128xf32>
      %transpose3A = tpu.transpose %get3A_135, [1, 0] : vector<128x128xf32> -> vector<128x128xf32>
      %dot_general3A_136 = arith.constant dense<0.000000e+00> : vector<128x128xf32>
      %dot_general3A_137 = tpu.matmul %get3A_130, %transpose3A, %dot_general3A_136 {dimension_numbers = #tpu.dot_dimension_numbers<[1], [0], [0], [1], [0, 0, 1, 1], [], []>, transpose_lhs_hint = false} : vector<128x128xf32>, vector<128x128xf32>, vector<128x128xf32> -> vector<128x128xf32>
      %convert_element_type3A_138 = arith.truncf %dot_general3A_137 : vector<128x128xf32> to vector<128x128xbf16>
      %swap3A_139 = arith.constant 0 : index
      %swap3A_140 = arith.constant 0 : index
      %swap3A_141 = vector.load %arg14[%swap3A_139, %swap3A_140] : memref<128x1024xbf16, #tpu.memory_space<vmem>>, vector<128x128xbf16>
      tpu.vector_store %arg14[%swap3A_139, %swap3A_140], %convert_element_type3A_138 {strides = array<i32>} : memref<128x1024xbf16, #tpu.memory_space<vmem>>, vector<128x128xbf16>,
      %convert_element_type3A_142 = arith.extf %convert_element_type3A_138 : vector<128x128xbf16> to vector<128x128xf32>
      %sub3A_143 = arith.subf %dot_general3A_137, %convert_element_type3A_142 : vector<128x128xf32>
      %convert_element_type3A_144 = arith.truncf %sub3A_143 : vector<128x128xf32> to vector<128x128xbf16>
      %swap3A_145 = arith.constant 0 : index
      %swap3A_146 = arith.constant 0 : index
      %swap3A_147 = vector.load %arg15[%swap3A_145, %swap3A_146] : memref<128x1024xbf16, #tpu.memory_space<vmem>>, vector<128x128xbf16>
      tpu.vector_store %arg15[%swap3A_145, %swap3A_146], %convert_element_type3A_144 {strides = array<i32>} : memref<128x1024xbf16, #tpu.memory_space<vmem>>, vector<128x128xbf16>,
      %get3A_148 = arith.constant 1 : index
      %get3A_149 = arith.constant 0 : index
      %get3A_150 = arith.constant 0 : index
      %get3A_151 = vector.load %arg5[%get3A_148, %get3A_149, %get3A_150] : memref<8x128x128xf32, #tpu.memory_space<vmem>>, vector<1x128x128xf32>
      %get3A_152 = vector.shape_cast %get3A_151 : vector<1x128x128xf32> to vector<128x128xf32>
      %get3A_153 = arith.constant 1 : index
      %get3A_154 = arith.constant 0 : index
      %get3A_155 = arith.constant 0 : index
      %get3A_156 = vector.load %arg6[%get3A_153, %get3A_154, %get3A_155] : memref<8x128x128xf32, #tpu.memory_space<vmem>>, vector<1x128x128xf32>
      %get3A_157 = vector.shape_cast %get3A_156 : vector<1x128x128xf32> to vector<128x128xf32>
      %transpose3A_158 = tpu.transpose %get3A_157, [1, 0] : vector<128x128xf32> -> vector<128x128xf32>
      %dot_general3A_159 = arith.constant dense<0.000000e+00> : vector<128x128xf32>
      %dot_general3A_160 = tpu.matmul %get3A_152, %transpose3A_158, %dot_general3A_159 {dimension_numbers = #tpu.dot_dimension_numbers<[1], [0], [0], [1], [0, 0, 1, 1], [], []>, transpose_lhs_hint = false} : vector<128x128xf32>, vector<128x128xf32>, vector<128x128xf32> -> vector<128x128xf32>
      %convert_element_type3A_161 = arith.truncf %dot_general3A_160 : vector<128x128xf32> to vector<128x128xbf16>
      %swap3A_162 = arith.constant 0 : index
      %swap3A_163 = arith.constant 128 : index
      %swap3A_164 = vector.load %arg14[%swap3A_162, %swap3A_163] : memref<128x1024xbf16, #tpu.memory_space<vmem>>, vector<128x128xbf16>
      tpu.vector_store %arg14[%swap3A_162, %swap3A_163], %convert_element_type3A_161 {strides = array<i32>} : memref<128x1024xbf16, #tpu.memory_space<vmem>>, vector<128x128xbf16>,
      %convert_element_type3A_165 = arith.extf %convert_element_type3A_161 : vector<128x128xbf16> to vector<128x128xf32>
      %sub3A_166 = arith.subf %dot_general3A_160, %convert_element_type3A_165 : vector<128x128xf32>
      %convert_element_type3A_167 = arith.truncf %sub3A_166 : vector<128x128xf32> to vector<128x128xbf16>
      %swap3A_168 = arith.constant 0 : index
      %swap3A_169 = arith.constant 128 : index
      %swap3A_170 = vector.load %arg15[%swap3A_168, %swap3A_169] : memref<128x1024xbf16, #tpu.memory_space<vmem>>, vector<128x128xbf16>
      tpu.vector_store %arg15[%swap3A_168, %swap3A_169], %convert_element_type3A_167 {strides = array<i32>} : memref<128x1024xbf16, #tpu.memory_space<vmem>>, vector<128x128xbf16>,
      %get3A_171 = arith.constant 2 : index
      %get3A_172 = arith.constant 0 : index
      %get3A_173 = arith.constant 0 : index
      %get3A_174 = vector.load %arg5[%get3A_171, %get3A_172, %get3A_173] : memref<8x128x128xf32, #tpu.memory_space<vmem>>, vector<1x128x128xf32>
      %get3A_175 = vector.shape_cast %get3A_174 : vector<1x128x128xf32> to vector<128x128xf32>
      %get3A_176 = arith.constant 2 : index
      %get3A_177 = arith.constant 0 : index
      %get3A_178 = arith.constant 0 : index
      %get3A_179 = vector.load %arg6[%get3A_176, %get3A_177, %get3A_178] : memref<8x128x128xf32, #tpu.memory_space<vmem>>, vector<1x128x128xf32>
      %get3A_180 = vector.shape_cast %get3A_179 : vector<1x128x128xf32> to vector<128x128xf32>
      %transpose3A_181 = tpu.transpose %get3A_180, [1, 0] : vector<128x128xf32> -> vector<128x128xf32>
      %dot_general3A_182 = arith.constant dense<0.000000e+00> : vector<128x128xf32>
      %dot_general3A_183 = tpu.matmul %get3A_175, %transpose3A_181, %dot_general3A_182 {dimension_numbers = #tpu.dot_dimension_numbers<[1], [0], [0], [1], [0, 0, 1, 1], [], []>, transpose_lhs_hint = false} : vector<128x128xf32>, vector<128x128xf32>, vector<128x128xf32> -> vector<128x128xf32>
      %convert_element_type3A_184 = arith.truncf %dot_general3A_183 : vector<128x128xf32> to vector<128x128xbf16>
      %swap3A_185 = arith.constant 0 : index
      %swap3A_186 = arith.constant 256 : index
      %swap3A_187 = vector.load %arg14[%swap3A_185, %swap3A_186] : memref<128x1024xbf16, #tpu.memory_space<vmem>>, vector<128x128xbf16>
      tpu.vector_store %arg14[%swap3A_185, %swap3A_186], %convert_element_type3A_184 {strides = array<i32>} : memref<128x1024xbf16, #tpu.memory_space<vmem>>, vector<128x128xbf16>,
      %convert_element_type3A_188 = arith.extf %convert_element_type3A_184 : vector<128x128xbf16> to vector<128x128xf32>
      %sub3A_189 = arith.subf %dot_general3A_183, %convert_element_type3A_188 : vector<128x128xf32>
      %convert_element_type3A_190 = arith.truncf %sub3A_189 : vector<128x128xf32> to vector<128x128xbf16>
      %swap3A_191 = arith.constant 0 : index
      %swap3A_192 = arith.constant 256 : index
      %swap3A_193 = vector.load %arg15[%swap3A_191, %swap3A_192] : memref<128x1024xbf16, #tpu.memory_space<vmem>>, vector<128x128xbf16>
      tpu.vector_store %arg15[%swap3A_191, %swap3A_192], %convert_element_type3A_190 {strides = array<i32>} : memref<128x1024xbf16, #tpu.memory_space<vmem>>, vector<128x128xbf16>,
      %get3A_194 = arith.constant 3 : index
      %get3A_195 = arith.constant 0 : index
      %get3A_196 = arith.constant 0 : index
      %get3A_197 = vector.load %arg5[%get3A_194, %get3A_195, %get3A_196] : memref<8x128x128xf32, #tpu.memory_space<vmem>>, vector<1x128x128xf32>
      %get3A_198 = vector.shape_cast %get3A_197 : vector<1x128x128xf32> to vector<128x128xf32>
      %get3A_199 = arith.constant 3 : index
      %get3A_200 = arith.constant 0 : index
      %get3A_201 = arith.constant 0 : index
      %get3A_202 = vector.load %arg6[%get3A_199, %get3A_200, %get3A_201] : memref<8x128x128xf32, #tpu.memory_space<vmem>>, vector<1x128x128xf32>
      %get3A_203 = vector.shape_cast %get3A_202 : vector<1x128x128xf32> to vector<128x128xf32>
      %transpose3A_204 = tpu.transpose %get3A_203, [1, 0] : vector<128x128xf32> -> vector<128x128xf32>
      %dot_general3A_205 = arith.constant dense<0.000000e+00> : vector<128x128xf32>
      %dot_general3A_206 = tpu.matmul %get3A_198, %transpose3A_204, %dot_general3A_205 {dimension_numbers = #tpu.dot_dimension_numbers<[1], [0], [0], [1], [0, 0, 1, 1], [], []>, transpose_lhs_hint = false} : vector<128x128xf32>, vector<128x128xf32>, vector<128x128xf32> -> vector<128x128xf32>
      %convert_element_type3A_207 = arith.truncf %dot_general3A_206 : vector<128x128xf32> to vector<128x128xbf16>
      %swap3A_208 = arith.constant 0 : index
      %swap3A_209 = arith.constant 384 : index
      %swap3A_210 = vector.load %arg14[%swap3A_208, %swap3A_209] : memref<128x1024xbf16, #tpu.memory_space<vmem>>, vector<128x128xbf16>
      tpu.vector_store %arg14[%swap3A_208, %swap3A_209], %convert_element_type3A_207 {strides = array<i32>} : memref<128x1024xbf16, #tpu.memory_space<vmem>>, vector<128x128xbf16>,
      %convert_element_type3A_211 = arith.extf %convert_element_type3A_207 : vector<128x128xbf16> to vector<128x128xf32>
      %sub3A_212 = arith.subf %dot_general3A_206, %convert_element_type3A_211 : vector<128x128xf32>
      %convert_element_type3A_213 = arith.truncf %sub3A_212 : vector<128x128xf32> to vector<128x128xbf16>
      %swap3A_214 = arith.constant 0 : index
      %swap3A_215 = arith.constant 384 : index
      %swap3A_216 = vector.load %arg15[%swap3A_214, %swap3A_215] : memref<128x1024xbf16, #tpu.memory_space<vmem>>, vector<128x128xbf16>
      tpu.vector_store %arg15[%swap3A_214, %swap3A_215], %convert_element_type3A_213 {strides = array<i32>} : memref<128x1024xbf16, #tpu.memory_space<vmem>>, vector<128x128xbf16>,
      %get3A_217 = arith.constant 4 : index
      %get3A_218 = arith.constant 0 : index
      %get3A_219 = arith.constant 0 : index
      %get3A_220 = vector.load %arg5[%get3A_217, %get3A_218, %get3A_219] : memref<8x128x128xf32, #tpu.memory_space<vmem>>, vector<1x128x128xf32>
      %get3A_221 = vector.shape_cast %get3A_220 : vector<1x128x128xf32> to vector<128x128xf32>
      %get3A_222 = arith.constant 4 : index
      %get3A_223 = arith.constant 0 : index
      %get3A_224 = arith.constant 0 : index
      %get3A_225 = vector.load %arg6[%get3A_222, %get3A_223, %get3A_224] : memref<8x128x128xf32, #tpu.memory_space<vmem>>, vector<1x128x128xf32>
      %get3A_226 = vector.shape_cast %get3A_225 : vector<1x128x128xf32> to vector<128x128xf32>
      %transpose3A_227 = tpu.transpose %get3A_226, [1, 0] : vector<128x128xf32> -> vector<128x128xf32>
      %dot_general3A_228 = arith.constant dense<0.000000e+00> : vector<128x128xf32>
      %dot_general3A_229 = tpu.matmul %get3A_221, %transpose3A_227, %dot_general3A_228 {dimension_numbers = #tpu.dot_dimension_numbers<[1], [0], [0], [1], [0, 0, 1, 1], [], []>, transpose_lhs_hint = false} : vector<128x128xf32>, vector<128x128xf32>, vector<128x128xf32> -> vector<128x128xf32>
      %convert_element_type3A_230 = arith.truncf %dot_general3A_229 : vector<128x128xf32> to vector<128x128xbf16>
      %swap3A_231 = arith.constant 0 : index
      %swap3A_232 = arith.constant 512 : index
      %swap3A_233 = vector.load %arg14[%swap3A_231, %swap3A_232] : memref<128x1024xbf16, #tpu.memory_space<vmem>>, vector<128x128xbf16>
      tpu.vector_store %arg14[%swap3A_231, %swap3A_232], %convert_element_type3A_230 {strides = array<i32>} : memref<128x1024xbf16, #tpu.memory_space<vmem>>, vector<128x128xbf16>,
      %convert_element_type3A_234 = arith.extf %convert_element_type3A_230 : vector<128x128xbf16> to vector<128x128xf32>
      %sub3A_235 = arith.subf %dot_general3A_229, %convert_element_type3A_234 : vector<128x128xf32>
      %convert_element_type3A_236 = arith.truncf %sub3A_235 : vector<128x128xf32> to vector<128x128xbf16>
      %swap3A_237 = arith.constant 0 : index
      %swap3A_238 = arith.constant 512 : index
      %swap3A_239 = vector.load %arg15[%swap3A_237, %swap3A_238] : memref<128x1024xbf16, #tpu.memory_space<vmem>>, vector<128x128xbf16>
      tpu.vector_store %arg15[%swap3A_237, %swap3A_238], %convert_element_type3A_236 {strides = array<i32>} : memref<128x1024xbf16, #tpu.memory_space<vmem>>, vector<128x128xbf16>,
      %get3A_240 = arith.constant 5 : index
      %get3A_241 = arith.constant 0 : index
      %get3A_242 = arith.constant 0 : index
      %get3A_243 = vector.load %arg5[%get3A_240, %get3A_241, %get3A_242] : memref<8x128x128xf32, #tpu.memory_space<vmem>>, vector<1x128x128xf32>
      %get3A_244 = vector.shape_cast %get3A_243 : vector<1x128x128xf32> to vector<128x128xf32>
      %get3A_245 = arith.constant 5 : index
      %get3A_246 = arith.constant 0 : index
      %get3A_247 = arith.constant 0 : index
      %get3A_248 = vector.load %arg6[%get3A_245, %get3A_246, %get3A_247] : memref<8x128x128xf32, #tpu.memory_space<vmem>>, vector<1x128x128xf32>
      %get3A_249 = vector.shape_cast %get3A_248 : vector<1x128x128xf32> to vector<128x128xf32>
      %transpose3A_250 = tpu.transpose %get3A_249, [1, 0] : vector<128x128xf32> -> vector<128x128xf32>
      %dot_general3A_251 = arith.constant dense<0.000000e+00> : vector<128x128xf32>
      %dot_general3A_252 = tpu.matmul %get3A_244, %transpose3A_250, %dot_general3A_251 {dimension_numbers = #tpu.dot_dimension_numbers<[1], [0], [0], [1], [0, 0, 1, 1], [], []>, transpose_lhs_hint = false} : vector<128x128xf32>, vector<128x128xf32>, vector<128x128xf32> -> vector<128x128xf32>
      %convert_element_type3A_253 = arith.truncf %dot_general3A_252 : vector<128x128xf32> to vector<128x128xbf16>
      %swap3A_254 = arith.constant 0 : index
      %swap3A_255 = arith.constant 640 : index
      %swap3A_256 = vector.load %arg14[%swap3A_254, %swap3A_255] : memref<128x1024xbf16, #tpu.memory_space<vmem>>, vector<128x128xbf16>
      tpu.vector_store %arg14[%swap3A_254, %swap3A_255], %convert_element_type3A_253 {strides = array<i32>} : memref<128x1024xbf16, #tpu.memory_space<vmem>>, vector<128x128xbf16>,
      %convert_element_type3A_257 = arith.extf %convert_element_type3A_253 : vector<128x128xbf16> to vector<128x128xf32>
      %sub3A_258 = arith.subf %dot_general3A_252, %convert_element_type3A_257 : vector<128x128xf32>
      %convert_element_type3A_259 = arith.truncf %sub3A_258 : vector<128x128xf32> to vector<128x128xbf16>
      %swap3A_260 = arith.constant 0 : index
      %swap3A_261 = arith.constant 640 : index
      %swap3A_262 = vector.load %arg15[%swap3A_260, %swap3A_261] : memref<128x1024xbf16, #tpu.memory_space<vmem>>, vector<128x128xbf16>
      tpu.vector_store %arg15[%swap3A_260, %swap3A_261], %convert_element_type3A_259 {strides = array<i32>} : memref<128x1024xbf16, #tpu.memory_space<vmem>>, vector<128x128xbf16>,
      %get3A_263 = arith.constant 6 : index
      %get3A_264 = arith.constant 0 : index
      %get3A_265 = arith.constant 0 : index
      %get3A_266 = vector.load %arg5[%get3A_263, %get3A_264, %get3A_265] : memref<8x128x128xf32, #tpu.memory_space<vmem>>, vector<1x128x128xf32>
      %get3A_267 = vector.shape_cast %get3A_266 : vector<1x128x128xf32> to vector<128x128xf32>
      %get3A_268 = arith.constant 6 : index
      %get3A_269 = arith.constant 0 : index
      %get3A_270 = arith.constant 0 : index
      %get3A_271 = vector.load %arg6[%get3A_268, %get3A_269, %get3A_270] : memref<8x128x128xf32, #tpu.memory_space<vmem>>, vector<1x128x128xf32>
      %get3A_272 = vector.shape_cast %get3A_271 : vector<1x128x128xf32> to vector<128x128xf32>
      %transpose3A_273 = tpu.transpose %get3A_272, [1, 0] : vector<128x128xf32> -> vector<128x128xf32>
      %dot_general3A_274 = arith.constant dense<0.000000e+00> : vector<128x128xf32>
      %dot_general3A_275 = tpu.matmul %get3A_267, %transpose3A_273, %dot_general3A_274 {dimension_numbers = #tpu.dot_dimension_numbers<[1], [0], [0], [1], [0, 0, 1, 1], [], []>, transpose_lhs_hint = false} : vector<128x128xf32>, vector<128x128xf32>, vector<128x128xf32> -> vector<128x128xf32>
      %convert_element_type3A_276 = arith.truncf %dot_general3A_275 : vector<128x128xf32> to vector<128x128xbf16>
      %swap3A_277 = arith.constant 0 : index
      %swap3A_278 = arith.constant 768 : index
      %swap3A_279 = vector.load %arg14[%swap3A_277, %swap3A_278] : memref<128x1024xbf16, #tpu.memory_space<vmem>>, vector<128x128xbf16>
      tpu.vector_store %arg14[%swap3A_277, %swap3A_278], %convert_element_type3A_276 {strides = array<i32>} : memref<128x1024xbf16, #tpu.memory_space<vmem>>, vector<128x128xbf16>,
      %convert_element_type3A_280 = arith.extf %convert_element_type3A_276 : vector<128x128xbf16> to vector<128x128xf32>
      %sub3A_281 = arith.subf %dot_general3A_275, %convert_element_type3A_280 : vector<128x128xf32>
      %convert_element_type3A_282 = arith.truncf %sub3A_281 : vector<128x128xf32> to vector<128x128xbf16>
      %swap3A_283 = arith.constant 0 : index
      %swap3A_284 = arith.constant 768 : index
      %swap3A_285 = vector.load %arg15[%swap3A_283, %swap3A_284] : memref<128x1024xbf16, #tpu.memory_space<vmem>>, vector<128x128xbf16>
      tpu.vector_store %arg15[%swap3A_283, %swap3A_284], %convert_element_type3A_282 {strides = array<i32>} : memref<128x1024xbf16, #tpu.memory_space<vmem>>, vector<128x128xbf16>,
      %get3A_286 = arith.constant 7 : index
      %get3A_287 = arith.constant 0 : index
      %get3A_288 = arith.constant 0 : index
      %get3A_289 = vector.load %arg5[%get3A_286, %get3A_287, %get3A_288] : memref<8x128x128xf32, #tpu.memory_space<vmem>>, vector<1x128x128xf32>
      %get3A_290 = vector.shape_cast %get3A_289 : vector<1x128x128xf32> to vector<128x128xf32>
      %get3A_291 = arith.constant 7 : index
      %get3A_292 = arith.constant 0 : index
      %get3A_293 = arith.constant 0 : index
      %get3A_294 = vector.load %arg6[%get3A_291, %get3A_292, %get3A_293] : memref<8x128x128xf32, #tpu.memory_space<vmem>>, vector<1x128x128xf32>
      %get3A_295 = vector.shape_cast %get3A_294 : vector<1x128x128xf32> to vector<128x128xf32>
      %transpose3A_296 = tpu.transpose %get3A_295, [1, 0] : vector<128x128xf32> -> vector<128x128xf32>
      %dot_general3A_297 = arith.constant dense<0.000000e+00> : vector<128x128xf32>
      %dot_general3A_298 = tpu.matmul %get3A_290, %transpose3A_296, %dot_general3A_297 {dimension_numbers = #tpu.dot_dimension_numbers<[1], [0], [0], [1], [0, 0, 1, 1], [], []>, transpose_lhs_hint = false} : vector<128x128xf32>, vector<128x128xf32>, vector<128x128xf32> -> vector<128x128xf32>
      %convert_element_type3A_299 = arith.truncf %dot_general3A_298 : vector<128x128xf32> to vector<128x128xbf16>
      %swap3A_300 = arith.constant 0 : index
      %swap3A_301 = arith.constant 896 : index
      %swap3A_302 = vector.load %arg14[%swap3A_300, %swap3A_301] : memref<128x1024xbf16, #tpu.memory_space<vmem>>, vector<128x128xbf16>
      tpu.vector_store %arg14[%swap3A_300, %swap3A_301], %convert_element_type3A_299 {strides = array<i32>} : memref<128x1024xbf16, #tpu.memory_space<vmem>>, vector<128x128xbf16>,
      %convert_element_type3A_303 = arith.extf %convert_element_type3A_299 : vector<128x128xbf16> to vector<128x128xf32>
      %sub3A_304 = arith.subf %dot_general3A_298, %convert_element_type3A_303 : vector<128x128xf32>
      %convert_element_type3A_305 = arith.truncf %sub3A_304 : vector<128x128xf32> to vector<128x128xbf16>
      %swap3A_306 = arith.constant 0 : index
      %swap3A_307 = arith.constant 896 : index
      %swap3A_308 = vector.load %arg15[%swap3A_306, %swap3A_307] : memref<128x1024xbf16, #tpu.memory_space<vmem>>, vector<128x128xbf16>
      tpu.vector_store %arg15[%swap3A_306, %swap3A_307], %convert_element_type3A_305 {strides = array<i32>} : memref<128x1024xbf16, #tpu.memory_space<vmem>>, vector<128x128xbf16>,
      %iota3A = tpu.iota {dimensions = array<i32: 0>} : vector<1024x8xi32>
      %jit3A = arith.constant 128 : i32
      %div3A = vector.broadcast %jit3A : i32 to vector<1024x8xi32>
      %div3A_309 = arith.divsi %iota3A, %div3A : vector<1024x8xi32>
      %sign3A = arith.constant 0 : i32
      %sign3A_310 = vector.broadcast %sign3A : i32 to vector<1024x8xi32>
      %sign3A_311 = arith.cmpi sgt, %iota3A, %sign3A_310 : vector<1024x8xi32>
      %sign3A_312 = arith.extui %sign3A_311 : vector<1024x8xi1> to vector<1024x8xi32>
      %sign3A_313 = arith.constant 0 : i32
      %sign3A_314 = vector.broadcast %sign3A_313 : i32 to vector<1024x8xi32>
      %sign3A_315 = arith.cmpi slt, %iota3A, %sign3A_314 : vector<1024x8xi32>
      %sign3A_316 = arith.extui %sign3A_315 : vector<1024x8xi1> to vector<1024x8xi32>
      %sign3A_317 = arith.subi %sign3A_312, %sign3A_316 : vector<1024x8xi32>
      %sign3A_318 = arith.constant 0 : i32
      %sign3A_319 = arith.cmpi sgt, %jit3A, %sign3A_318 : i32
      %sign3A_320 = arith.extui %sign3A_319 : i1 to i32
      %sign3A_321 = arith.constant 0 : i32
      %sign3A_322 = arith.cmpi slt, %jit3A, %sign3A_321 : i32
      %sign3A_323 = arith.extui %sign3A_322 : i1 to i32
      %sign3A_324 = arith.subi %sign3A_320, %sign3A_323 : i32
      %ne3A = vector.broadcast %sign3A_324 : i32 to vector<1024x8xi32>
      %ne3A_325 = arith.cmpi ne, %sign3A_317, %ne3A : vector<1024x8xi32>
      %rem3A = vector.broadcast %jit3A : i32 to vector<1024x8xi32>
      %rem3A_326 = arith.remsi %iota3A, %rem3A : vector<1024x8xi32>
      %ne3A_327 = arith.constant 0 : i32
      %ne3A_328 = vector.broadcast %ne3A_327 : i32 to vector<1024x8xi32>
      %ne3A_329 = arith.cmpi ne, %rem3A_326, %ne3A_328 : vector<1024x8xi32>
      %and3A = arith.andi %ne3A_325, %ne3A_329 : vector<1024x8xi1>
      %sub3A_330 = arith.constant 1 : i32
      %sub3A_331 = vector.broadcast %sub3A_330 : i32 to vector<1024x8xi32>
      %sub3A_332 = arith.subi %div3A_309, %sub3A_331 : vector<1024x8xi32>
      %select_n3A = arith.select %and3A, %sub3A_332, %div3A_309 : vector<1024x8xi1>, vector<1024x8xi32>
      %iota3A_333 = tpu.iota {dimensions = array<i32: 1>} : vector<1024x8xi32>
      %eq3A_334 = arith.cmpi eq, %select_n3A, %iota3A_333 : vector<1024x8xi32>
      %jit3A_335 = arith.constant 1.000000e+00 : f32
      %jit3A_336 = arith.constant 0.000000e+00 : f32
      %broadcast_in_dim3A = vector.broadcast %jit3A_335 : f32 to vector<1024x8xf32>
      %broadcast_in_dim3A_337 = vector.broadcast %jit3A_336 : f32 to vector<1024x8xf32>
      %select_n3A_338 = arith.select %eq3A_334, %broadcast_in_dim3A, %broadcast_in_dim3A_337 : vector<1024x8xi1>, vector<1024x8xf32>
      %get3A_339 = arith.constant 0 : index
      %get3A_340 = arith.constant 0 : index
      %get3A_341 = vector.load %arg7[%get3A_339, %get3A_340] : memref<20x32xf32, #tpu.memory_space<vmem>>, vector<8x32xf32>
      %dot_general3A_342 = arith.constant dense<0.000000e+00> : vector<1024x32xf32>
      %dot_general3A_343 = tpu.matmul %select_n3A_338, %get3A_341, %dot_general3A_342 {dimension_numbers = #tpu.dot_dimension_numbers<[1], [0], [0], [1], [0, 0, 1, 1], [], []>, precision = #tpu.contract_precision<fp32>, transpose_lhs_hint = false} : vector<1024x8xf32>, vector<8x32xf32>, vector<1024x32xf32> -> vector<1024x32xf32>
      %swap3A_344 = arith.constant 0 : index
      %swap3A_345 = arith.constant 0 : index
      %swap3A_346 = vector.load %arg16[%swap3A_344, %swap3A_345] : memref<1024x64xf32, #tpu.memory_space<vmem>>, vector<1024x32xf32>
      tpu.vector_store %arg16[%swap3A_344, %swap3A_345], %dot_general3A_343 {strides = array<i32>} : memref<1024x64xf32, #tpu.memory_space<vmem>>, vector<1024x32xf32>,
      %get3A_347 = arith.constant 8 : index
      %get3A_348 = arith.constant 0 : index
      %get3A_349 = vector.load %arg7[%get3A_347, %get3A_348] : memref<20x32xf32, #tpu.memory_space<vmem>>, vector<8x32xf32>
      %dot_general3A_350 = arith.constant dense<0.000000e+00> : vector<1024x32xf32>
      %dot_general3A_351 = tpu.matmul %select_n3A_338, %get3A_349, %dot_general3A_350 {dimension_numbers = #tpu.dot_dimension_numbers<[1], [0], [0], [1], [0, 0, 1, 1], [], []>, precision = #tpu.contract_precision<fp32>, transpose_lhs_hint = false} : vector<1024x8xf32>, vector<8x32xf32>, vector<1024x32xf32> -> vector<1024x32xf32>
      %swap3A_352 = arith.constant 0 : index
      %swap3A_353 = arith.constant 32 : index
      %swap3A_354 = vector.load %arg16[%swap3A_352, %swap3A_353] : memref<1024x64xf32, #tpu.memory_space<vmem>>, vector<1024x32xf32>
      tpu.vector_store %arg16[%swap3A_352, %swap3A_353], %dot_general3A_351 {strides = array<i32>} : memref<1024x64xf32, #tpu.memory_space<vmem>>, vector<1024x32xf32>,
    } else {
    }
    %get3A = arith.constant 0 : index
    %get3A_2 = arith.constant 0 : index
    %get3A_3 = arith.constant 0 : index
    %get3A_4 = vector.load %arg1[%get3A, %get3A_2, %get3A_3] : memref<2x1040x128xf32, #tpu.memory_space<vmem>>, vector<2x1040x128xf32>
    %reshape3A = vector.shape_cast %get3A_4 : vector<2x1040x128xf32> to vector<2080x128xf32>
    %get3A_5 = arith.constant 0 : index
    %get3A_6 = arith.constant 0 : index
    %get3A_7 = arith.constant 0 : index
    %get3A_8 = vector.load %arg2[%get3A_5, %get3A_6, %get3A_7] : memref<2x1040x128xf32, #tpu.memory_space<vmem>>, vector<2x1040x128xf32>
    %reshape3A_9 = vector.shape_cast %get3A_8 : vector<2x1040x128xf32> to vector<2080x128xf32>
    %get3A_10 = arith.constant 0 : index
    %get3A_11 = arith.constant 0 : index
    %get3A_12 = arith.constant 0 : index
    %get3A_13 = vector.load %arg3[%get3A_10, %get3A_11, %get3A_12] : memref<2x1040x128xf32, #tpu.memory_space<vmem>>, vector<2x1040x128xf32>
    %reshape3A_14 = vector.shape_cast %get3A_13 : vector<2x1040x128xf32> to vector<2080x128xf32>
    %convert_element_type3A_15 = arith.truncf %reshape3A : vector<2080x128xf32> to vector<2080x128xbf16>
    %convert_element_type3A_16 = arith.truncf %reshape3A_9 : vector<2080x128xf32> to vector<2080x128xbf16>
    %get3A_17 = arith.constant 0 : index
    %get3A_18 = arith.constant 0 : index
    %get3A_19 = vector.load %arg14[%get3A_17, %get3A_18] : memref<128x1024xbf16, #tpu.memory_space<vmem>>, vector<128x1024xbf16>
    %get3A_20 = arith.constant 0 : index
    %get3A_21 = arith.constant 0 : index
    %get3A_22 = vector.load %arg15[%get3A_20, %get3A_21] : memref<128x1024xbf16, #tpu.memory_space<vmem>>, vector<128x1024xbf16>
    %dot_general3A = arith.constant dense<0.000000e+00> : vector<2080x1024xf32>
    %dot_general3A_23 = tpu.matmul %convert_element_type3A_15, %get3A_19, %dot_general3A {dimension_numbers = #tpu.dot_dimension_numbers<[1], [0], [0], [1], [0, 0, 1, 1], [], []>, transpose_lhs_hint = false} : vector<2080x128xbf16>, vector<128x1024xbf16>, vector<2080x1024xf32> -> vector<2080x1024xf32>
    %dot_general3A_24 = arith.constant dense<0.000000e+00> : vector<2080x1024xf32>
    %dot_general3A_25 = tpu.matmul %convert_element_type3A_15, %get3A_22, %dot_general3A_24 {dimension_numbers = #tpu.dot_dimension_numbers<[1], [0], [0], [1], [0, 0, 1, 1], [], []>, transpose_lhs_hint = false} : vector<2080x128xbf16>, vector<128x1024xbf16>, vector<2080x1024xf32> -> vector<2080x1024xf32>
    %add3A = arith.addf %dot_general3A_23, %dot_general3A_25 : vector<2080x1024xf32>
    %dot_general3A_26 = arith.constant dense<0.000000e+00> : vector<2080x1024xf32>
    %dot_general3A_27 = tpu.matmul %convert_element_type3A_16, %get3A_19, %dot_general3A_26 {dimension_numbers = #tpu.dot_dimension_numbers<[1], [0], [0], [1], [0, 0, 1, 1], [], []>, transpose_lhs_hint = false} : vector<2080x128xbf16>, vector<128x1024xbf16>, vector<2080x1024xf32> -> vector<2080x1024xf32>
    %dot_general3A_28 = arith.constant dense<0.000000e+00> : vector<2080x1024xf32>
    %dot_general3A_29 = tpu.matmul %convert_element_type3A_16, %get3A_22, %dot_general3A_28 {dimension_numbers = #tpu.dot_dimension_numbers<[1], [0], [0], [1], [0, 0, 1, 1], [], []>, transpose_lhs_hint = false} : vector<2080x128xbf16>, vector<128x1024xbf16>, vector<2080x1024xf32> -> vector<2080x1024xf32>
    %add3A_30 = arith.addf %dot_general3A_27, %dot_general3A_29 : vector<2080x1024xf32>
    %sub3A = arith.subf %reshape3A, %reshape3A_14 : vector<2080x128xf32>
    %slice3A = vector.extract_strided_slice %add3A_30 {offsets = [0, 0], sizes = [2080, 128], strides = [1, 1]} : vector<2080x1024xf32> to vector<2080x128xf32>
    %mul3A = arith.mulf %slice3A, %sub3A : vector<2080x128xf32>
    %slice3A_31 = vector.extract_strided_slice %add3A {offsets = [0, 0], sizes = [2080, 128], strides = [1, 1]} : vector<2080x1024xf32> to vector<2080x128xf32>
    %mul3A_32 = arith.mulf %slice3A_31, %reshape3A_14 : vector<2080x128xf32>
    %add3A_33 = arith.addf %mul3A, %mul3A_32 : vector<2080x128xf32>
    %slice3A_34 = vector.extract_strided_slice %add3A_30 {offsets = [0, 128], sizes = [2080, 128], strides = [1, 1]} : vector<2080x1024xf32> to vector<2080x128xf32>
    %mul3A_35 = arith.mulf %slice3A_34, %sub3A : vector<2080x128xf32>
    %slice3A_36 = vector.extract_strided_slice %add3A {offsets = [0, 128], sizes = [2080, 128], strides = [1, 1]} : vector<2080x1024xf32> to vector<2080x128xf32>
    %mul3A_37 = arith.mulf %slice3A_36, %reshape3A_14 : vector<2080x128xf32>
    %add3A_38 = arith.addf %mul3A_35, %mul3A_37 : vector<2080x128xf32>
    %slice3A_39 = vector.extract_strided_slice %add3A_30 {offsets = [0, 256], sizes = [2080, 128], strides = [1, 1]} : vector<2080x1024xf32> to vector<2080x128xf32>
    %mul3A_40 = arith.mulf %slice3A_39, %sub3A : vector<2080x128xf32>
    %slice3A_41 = vector.extract_strided_slice %add3A {offsets = [0, 256], sizes = [2080, 128], strides = [1, 1]} : vector<2080x1024xf32> to vector<2080x128xf32>
    %mul3A_42 = arith.mulf %slice3A_41, %reshape3A_14 : vector<2080x128xf32>
    %add3A_43 = arith.addf %mul3A_40, %mul3A_42 : vector<2080x128xf32>
    %slice3A_44 = vector.extract_strided_slice %add3A_30 {offsets = [0, 384], sizes = [2080, 128], strides = [1, 1]} : vector<2080x1024xf32> to vector<2080x128xf32>
    %mul3A_45 = arith.mulf %slice3A_44, %sub3A : vector<2080x128xf32>
    %slice3A_46 = vector.extract_strided_slice %add3A {offsets = [0, 384], sizes = [2080, 128], strides = [1, 1]} : vector<2080x1024xf32> to vector<2080x128xf32>
    %mul3A_47 = arith.mulf %slice3A_46, %reshape3A_14 : vector<2080x128xf32>
    %add3A_48 = arith.addf %mul3A_45, %mul3A_47 : vector<2080x128xf32>
    %slice3A_49 = vector.extract_strided_slice %add3A_30 {offsets = [0, 512], sizes = [2080, 128], strides = [1, 1]} : vector<2080x1024xf32> to vector<2080x128xf32>
    %mul3A_50 = arith.mulf %slice3A_49, %sub3A : vector<2080x128xf32>
    %slice3A_51 = vector.extract_strided_slice %add3A {offsets = [0, 512], sizes = [2080, 128], strides = [1, 1]} : vector<2080x1024xf32> to vector<2080x128xf32>
    %mul3A_52 = arith.mulf %slice3A_51, %reshape3A_14 : vector<2080x128xf32>
    %add3A_53 = arith.addf %mul3A_50, %mul3A_52 : vector<2080x128xf32>
    %slice3A_54 = vector.extract_strided_slice %add3A_30 {offsets = [0, 640], sizes = [2080, 128], strides = [1, 1]} : vector<2080x1024xf32> to vector<2080x128xf32>
    %mul3A_55 = arith.mulf %slice3A_54, %sub3A : vector<2080x128xf32>
    %slice3A_56 = vector.extract_strided_slice %add3A {offsets = [0, 640], sizes = [2080, 128], strides = [1, 1]} : vector<2080x1024xf32> to vector<2080x128xf32>
    %mul3A_57 = arith.mulf %slice3A_56, %reshape3A_14 : vector<2080x128xf32>
    %add3A_58 = arith.addf %mul3A_55, %mul3A_57 : vector<2080x128xf32>
    %slice3A_59 = vector.extract_strided_slice %add3A_30 {offsets = [0, 768], sizes = [2080, 128], strides = [1, 1]} : vector<2080x1024xf32> to vector<2080x128xf32>
    %mul3A_60 = arith.mulf %slice3A_59, %sub3A : vector<2080x128xf32>
    %slice3A_61 = vector.extract_strided_slice %add3A {offsets = [0, 768], sizes = [2080, 128], strides = [1, 1]} : vector<2080x1024xf32> to vector<2080x128xf32>
    %mul3A_62 = arith.mulf %slice3A_61, %reshape3A_14 : vector<2080x128xf32>
    %add3A_63 = arith.addf %mul3A_60, %mul3A_62 : vector<2080x128xf32>
    %slice3A_64 = vector.extract_strided_slice %add3A_30 {offsets = [0, 896], sizes = [2080, 128], strides = [1, 1]} : vector<2080x1024xf32> to vector<2080x128xf32>
    %mul3A_65 = arith.mulf %slice3A_64, %sub3A : vector<2080x128xf32>
    %slice3A_66 = vector.extract_strided_slice %add3A {offsets = [0, 896], sizes = [2080, 128], strides = [1, 1]} : vector<2080x1024xf32> to vector<2080x128xf32>
    %mul3A_67 = arith.mulf %slice3A_66, %reshape3A_14 : vector<2080x128xf32>
    %add3A_68 = arith.addf %mul3A_65, %mul3A_67 : vector<2080x128xf32>
    %concatenate3A = tpu.concatenate %add3A_33, %add3A_38, %add3A_43, %add3A_48, %add3A_53, %add3A_58, %add3A_63, %add3A_68 in 1 : vector<2080x128xf32>, vector<2080x128xf32>, vector<2080x128xf32>, vector<2080x128xf32>, vector<2080x128xf32>, vector<2080x128xf32>, vector<2080x128xf32>, vector<2080x128xf32> -> vector<2080x1024xf32>
    %get3A_69 = arith.constant 0 : index
    %get3A_70 = arith.constant 0 : index
    %get3A_71 = vector.load %arg16[%get3A_69, %get3A_70] : memref<1024x64xf32, #tpu.memory_space<vmem>>, vector<1024x64xf32>
    %dot_general3A_72 = arith.constant dense<0.000000e+00> : vector<2080x64xf32>
    %dot_general3A_73 = tpu.matmul %concatenate3A, %get3A_71, %dot_general3A_72 {dimension_numbers = #tpu.dot_dimension_numbers<[1], [0], [0], [1], [0, 0, 1, 1], [], []>, transpose_lhs_hint = false} : vector<2080x1024xf32>, vector<1024x64xf32>, vector<2080x64xf32> -> vector<2080x64xf32>
    %slice3A_74 = vector.extract_strided_slice %dot_general3A_73 {offsets = [1, 0], sizes = [512, 32], strides = [1, 1]} : vector<2080x64xf32> to vector<512x32xf32>
    %slice3A_75 = vector.extract_strided_slice %dot_general3A_73 {offsets = [513, 32], sizes = [512, 32], strides = [1, 1]} : vector<2080x64xf32> to vector<512x32xf32>
    %add3A_76 = arith.addf %slice3A_74, %slice3A_75 : vector<512x32xf32>
    %slice3A_77 = vector.extract_strided_slice %dot_general3A_73 {offsets = [1041, 0], sizes = [512, 32], strides = [1, 1]} : vector<2080x64xf32> to vector<512x32xf32>
    %slice3A_78 = vector.extract_strided_slice %dot_general3A_73 {offsets = [1553, 32], sizes = [512, 32], strides = [1, 1]} : vector<2080x64xf32> to vector<512x32xf32>
    %add3A_79 = arith.addf %slice3A_77, %slice3A_78 : vector<512x32xf32>
    %concatenate3A_80 = tpu.concatenate %add3A_76, %add3A_79 in 0 : vector<512x32xf32>, vector<512x32xf32> -> vector<1024x32xf32>
    %get3A_81 = arith.constant 0 : index
    %get3A_82 = arith.constant 0 : index
    %get3A_83 = arith.constant 0 : index
    %get3A_84 = vector.load %arg4[%get3A_81, %get3A_82, %get3A_83] : memref<2x512x4xf32, #tpu.memory_space<vmem>>, vector<2x512x4xf32>
    %reshape3A_85 = vector.shape_cast %get3A_84 : vector<2x512x4xf32> to vector<1024x4xf32>
    %get3A_86 = arith.constant 16 : index
    %get3A_87 = arith.constant 0 : index
    %get3A_88 = vector.load %arg7[%get3A_86, %get3A_87] : memref<20x32xf32, #tpu.memory_space<vmem>>, vector<4x32xf32>
    %dot_general3A_89 = arith.constant dense<0.000000e+00> : vector<1024x32xf32>
    %dot_general3A_90 = tpu.matmul %reshape3A_85, %get3A_88, %dot_general3A_89 {dimension_numbers = #tpu.dot_dimension_numbers<[1], [0], [0], [1], [0, 0, 1, 1], [], []>, transpose_lhs_hint = false} : vector<1024x4xf32>, vector<4x32xf32>, vector<1024x32xf32> -> vector<1024x32xf32>
    %add3A_91 = arith.addf %concatenate3A_80, %dot_general3A_90 : vector<1024x32xf32>
    %get3A_92 = arith.constant 0 : index
    %get3A_93 = arith.constant 0 : index
    %get3A_94 = vector.load %arg8[%get3A_92, %get3A_93] : memref<1x32xf32, #tpu.memory_space<vmem>>, vector<1x32xf32>
    %add3A_95 = vector.broadcast %get3A_94 : vector<1x32xf32> to vector<1024x32xf32>
    %add3A_96 = arith.addf %add3A_91, %add3A_95 : vector<1024x32xf32>
    %max3A = arith.constant 0.000000e+00 : f32
    %max3A_97 = vector.broadcast %max3A : f32 to vector<1024x32xf32>
    %max3A_98 = arith.maximumf %add3A_96, %max3A_97 : vector<1024x32xf32>
    %get3A_99 = arith.constant 0 : index
    %get3A_100 = arith.constant 0 : index
    %get3A_101 = vector.load %arg9[%get3A_99, %get3A_100] : memref<32x32xf32, #tpu.memory_space<vmem>>, vector<32x32xf32>
    %dot_general3A_102 = arith.constant dense<0.000000e+00> : vector<1024x32xf32>
    %dot_general3A_103 = tpu.matmul %max3A_98, %get3A_101, %dot_general3A_102 {dimension_numbers = #tpu.dot_dimension_numbers<[1], [0], [0], [1], [0, 0, 1, 1], [], []>, transpose_lhs_hint = false} : vector<1024x32xf32>, vector<32x32xf32>, vector<1024x32xf32> -> vector<1024x32xf32>
    %get3A_104 = arith.constant 0 : index
    %get3A_105 = arith.constant 0 : index
    %get3A_106 = vector.load %arg10[%get3A_104, %get3A_105] : memref<1x32xf32, #tpu.memory_space<vmem>>, vector<1x32xf32>
    %add3A_107 = vector.broadcast %get3A_106 : vector<1x32xf32> to vector<1024x32xf32>
    %add3A_108 = arith.addf %dot_general3A_103, %add3A_107 : vector<1024x32xf32>
    %max3A_109 = arith.constant 0.000000e+00 : f32
    %max3A_110 = vector.broadcast %max3A_109 : f32 to vector<1024x32xf32>
    %max3A_111 = arith.maximumf %add3A_108, %max3A_110 : vector<1024x32xf32>
    %get3A_112 = arith.constant 0 : index
    %get3A_113 = arith.constant 0 : index
    %get3A_114 = vector.load %arg11[%get3A_112, %get3A_113] : memref<32x1xf32, #tpu.memory_space<vmem>>, vector<32x1xf32>
    %dot_general3A_115 = arith.constant dense<0.000000e+00> : vector<1024x1xf32>
    %dot_general3A_116 = tpu.matmul %max3A_111, %get3A_114, %dot_general3A_115 {dimension_numbers = #tpu.dot_dimension_numbers<[1], [0], [0], [1], [0, 0, 1, 1], [], []>, transpose_lhs_hint = false} : vector<1024x32xf32>, vector<32x1xf32>, vector<1024x1xf32> -> vector<1024x1xf32>
    %get3A_117 = arith.constant 0 : index
    %get3A_118 = arith.constant 0 : index
    %get3A_119 = vector.load %arg12[%get3A_117, %get3A_118] : memref<1x1xf32, #tpu.memory_space<vmem>>, vector<1x1xf32>
    %add3A_120 = vector.broadcast %get3A_119 : vector<1x1xf32> to vector<1024x1xf32>
    %add3A_121 = arith.addf %dot_general3A_116, %add3A_120 : vector<1024x1xf32>
    %reshape3A_122 = vector.shape_cast %add3A_121 : vector<1024x1xf32> to vector<1x1x1024xf32>
    %swap3A = arith.constant 0 : index
    %swap3A_123 = arith.constant 0 : index
    %swap3A_124 = arith.constant 0 : index
    %swap3A_125 = vector.load %arg13[%swap3A, %swap3A_123, %swap3A_124] : memref<1x1x1024xf32, #tpu.memory_space<vmem>>, vector<1x1x1024xf32>
    tpu.vector_store %arg13[%swap3A, %swap3A_123, %swap3A_124], %reshape3A_122 {strides = array<i32>} : memref<1x1x1024xf32, #tpu.memory_space<vmem>>, vector<1x1x1024xf32>,
    return
  }
  func.func @transform_0(%arg0: i32) -> (i32, i32, i32) {
    %c0_i32 = arith.constant 0 : i32
    %c0_i32_0 = arith.constant 0 : i32
    %c0_i32_1 = arith.constant 0 : i32
    return %arg0, %c0_i32, %c0_i32_0 : i32, i32, i32
  }
  func.func @transform_1(%arg0: i32) -> (i32, i32, i32) {
    %c0_i32 = arith.constant 0 : i32
    %c0_i32_0 = arith.constant 0 : i32
    %c0_i32_1 = arith.constant 0 : i32
    return %arg0, %c0_i32, %c0_i32_0 : i32, i32, i32
  }
  func.func @transform_2(%arg0: i32) -> (i32, i32, i32) {
    %c0_i32 = arith.constant 0 : i32
    %c0_i32_0 = arith.constant 0 : i32
    %c0_i32_1 = arith.constant 0 : i32
    return %arg0, %c0_i32, %c0_i32_0 : i32, i32, i32
  }
  func.func @transform_3(%arg0: i32) -> (i32, i32, i32) {
    %c0_i32 = arith.constant 0 : i32
    %c0_i32_0 = arith.constant 0 : i32
    %c0_i32_1 = arith.constant 0 : i32
    return %arg0, %c0_i32, %c0_i32_0 : i32, i32, i32
  }
  func.func @transform_4(%arg0: i32) -> (i32, i32, i32) {
    %c0_i32 = arith.constant 0 : i32
    %c0_i32_0 = arith.constant 0 : i32
    %c0_i32_1 = arith.constant 0 : i32
    %c0_i32_2 = arith.constant 0 : i32
    return %c0_i32, %c0_i32_0, %c0_i32_1 : i32, i32, i32
  }
  func.func @transform_5(%arg0: i32) -> (i32, i32, i32) {
    %c0_i32 = arith.constant 0 : i32
    %c0_i32_0 = arith.constant 0 : i32
    %c0_i32_1 = arith.constant 0 : i32
    %c0_i32_2 = arith.constant 0 : i32
    return %c0_i32, %c0_i32_0, %c0_i32_1 : i32, i32, i32
  }
  func.func @transform_6(%arg0: i32) -> (i32, i32) {
    %c0_i32 = arith.constant 0 : i32
    %c0_i32_0 = arith.constant 0 : i32
    %c0_i32_1 = arith.constant 0 : i32
    return %c0_i32, %c0_i32_0 : i32, i32
  }
  func.func @transform_7(%arg0: i32) -> (i32, i32) {
    %c0_i32 = arith.constant 0 : i32
    %c0_i32_0 = arith.constant 0 : i32
    %c0_i32_1 = arith.constant 0 : i32
    return %c0_i32, %c0_i32_0 : i32, i32
  }
  func.func @transform_8(%arg0: i32) -> (i32, i32) {
    %c0_i32 = arith.constant 0 : i32
    %c0_i32_0 = arith.constant 0 : i32
    %c0_i32_1 = arith.constant 0 : i32
    return %c0_i32, %c0_i32_0 : i32, i32
  }
  func.func @transform_9(%arg0: i32) -> (i32, i32) {
    %c0_i32 = arith.constant 0 : i32
    %c0_i32_0 = arith.constant 0 : i32
    %c0_i32_1 = arith.constant 0 : i32
    return %c0_i32, %c0_i32_0 : i32, i32
  }
  func.func @transform_10(%arg0: i32) -> (i32, i32) {
    %c0_i32 = arith.constant 0 : i32
    %c0_i32_0 = arith.constant 0 : i32
    %c0_i32_1 = arith.constant 0 : i32
    return %c0_i32, %c0_i32_0 : i32, i32
  }
  func.func @transform_11(%arg0: i32) -> (i32, i32) {
    %c0_i32 = arith.constant 0 : i32
    %c0_i32_0 = arith.constant 0 : i32
    %c0_i32_1 = arith.constant 0 : i32
    return %c0_i32, %c0_i32_0 : i32, i32
  }
  func.func @transform_12(%arg0: i32) -> (i32, i32, i32) {
    %c0_i32 = arith.constant 0 : i32
    %c0_i32_0 = arith.constant 0 : i32
    %c0_i32_1 = arith.constant 0 : i32
    return %arg0, %c0_i32, %c0_i32_0 : i32, i32, i32
  }
}

</mosaic_0001>

<sc_bundles>
// kernel: kernel.4.cloned.1.call-start
scs
__scs_entry_jumppad:
0x0: {  	(pc) =	sbr.rel $0x88, $3  }
0x1: {  	(tag) =	ssettag $0x0;
	lr =	simm.s32 $0x1  }
0x2: {  	[smem:$0x3F96] =	sst lr;
	_ =	strace $0xD0000000  }
0x3: {  	_ = 	snop  }
0x4: {  	_ = 	snop  }
0x5: {  	_ = 	snop  }
0x6: {  	_ = 	snop  }
0x7: {  	_ = 	snop  }
__scs_overlays_trampoline_lowered:
0x8: {  	[smem:$0x3FA5] =	sst s0  }
0x9: {  	[smem:$0x3FA6] =	sst s1  }
0xa: {  	[smem:$0x3FA7] =	sst s2  }
0xb: {  	[smem:$0x3FA8] =	sst s3  }
0xc: {  	[smem:$0x3FA9] =	sst s4  }
0xd: {  	[smem:$0x3FAA] =	sst s5  }
0xe: {  	[smem:$0x3FAB] =	sst s6  }
0xf: {  	[smem:$0x3FAC] =	sst s7  }
0x10: {  	[smem:$0x3FAD] =	sst s8  }
0x11: {  	[smem:$0x3FAE] =	sst s9;
	s0 =	simm.s32 @!p0 $0x0  }
0x12: {  	s1 =	sld [smem:$0x3F94];
	s0 =	simm.s32 @p0 $0x1  }
0x13: {  	[smem:$0x3FAF] =	sst s0;
	s0 =	simm.s32 @!p1 $0x0  }
0x14: {  	s2 =	sld [smem:$0x3F93];
	s0 =	simm.s32 @p1 $0x1  }
0x15: {  	[smem:$0x3FB0] =	sst s0;
	s0 =	simm.s32 @!p2 $0x0  }
0x16: {  	s3 =	sld [smem:$0x3FDB];
	s0 =	simm.s32 @p2 $0x1  }
0x17: {  	s4 =	simm.s32 $0x1BF5;
	[smem:$0x3FB2] =	sst s0  }
0x18: {  	s0 =	sld [smem:$0x3F95];
	_ =	swait.ge [sflag:s4], $0x0  }
0x19: {  	s7 =	sld [smem:$0x3F96]  }
0x1a: {  	s8 =	sadd.s32 $0xFFFFE003, lr  }
0x1b: {  	s9 =	sadd.s32 $0xFFFFFEF7, lr;
	s5 =	simm.s32 $0xFFFFFFFF;
	p2 =	slt.u32 s8, $0xFFFFF086  }
0x1c: {  	p1 =	slt.u32 s9, $0xF7A;
	s5 =	simm.s32 @!p2 $0x0  }
0x1d: {  	s5 =	simm.s32 @p1 $0x1;
	p0 =	seq.s32 s7, s2  }
0x1e: {  	s7 =	smul.u32 @!p0 $0xF7A, s2;
	p2 =	seq.s32 @!p0 s5, $0x0  }
0x1f: {  	s9 =	smul.u32 $0xF7A, s1;
	s8 =	simm.s32 @!p0 $0x1BF5;
	p2 =	por !p2, p0  }
0x20: {  	[sflag:s8] =	ssyncset.s32 @!p0 $0xFFFFF086;
	s6 =	sadd.s32 @!p0 s3, s7;
	s7 =	simm.s32 @!p0 $0x108  }
0x21: {  	s3 =	sadd.s32 s3, s9;
	s6 =	sadd.s32 @!p0 $0x88, s6;
	s7 =	simm.s32 @p2 $0x1082  }
0x22: {  	[simem:s7], [sflag:s8] =	dma.local @!p0 [hbm:s6], $0xF7A  }
0x23: {  	s9 =	sor.u32 $0xD0000000, s2;
	s6 =	simm.s32 $0x108;
	_ =	swait.ge @!p0 [sflag:s8], $0x0  }
0x24: {  	s3 =	sadd.s32 $0x88, s3;
	s6 =	simm.s32 @!p1 $0x1082;
	[sflag:s4] =	ssyncset.s32 $0xFFFFF086  }
0x25: {  	[simem:s6], [sflag:s4] =	dma.local [hbm:s3], $0xF7A  }
0x26: {  	[smem:$0x3F96] =	sst s1;
	(tag) =	ssettag s2;
	_ =	strace s9  }
0x27: {  	s1 =	sld [smem:$0x3FA6]  }
0x28: {  	s2 =	sld [smem:$0x3FA7]  }
0x29: {  	s4 =	sld [smem:$0x3FA9]  }
0x2a: {  	p0 =	seq.s32 s5, $0x0;
	s5 =	sld [smem:$0x3FAA]  }
0x2b: {  	s6 =	sld [smem:$0x3FAB]  }
0x2c: {  	s7 =	sld [smem:$0x3FAC]  }
0x2d: {  	s3 =	simm.s32 $0x108;
	s8 =	sld [smem:$0x3FAD]  }
0x2e: {  	s3 =	simm.s32 @!p0 $0x1082;
	s9 =	sld [smem:$0x3FAE]  }
0x2f: {  	lr =	sadd.s32 s0, s3;
	s0 =	sld [smem:$0x3FA5]  }
0x30: {  	s3 =	sld [smem:$0x3FA8]  }
0x31: {  	[smem:$0x3FB1] =	sst s10  }
0x32: {  	s10 =	sld [smem:$0x3FAF];
	_ =	sdelay $0x3  }
0x33: {  	p0 =	seq.s32 s10, $0x1;
	s10 =	sld [smem:$0x3FB1];
	_ =	sdelay $0x3  }
0x34: {  	[smem:$0x3FB1] =	sst s10  }
0x35: {  	s10 =	sld [smem:$0x3FB0];
	_ =	sdelay $0x3  }
0x36: {  	p1 =	seq.s32 s10, $0x1;
	s10 =	sld [smem:$0x3FB1];
	_ =	sdelay $0x3  }
0x37: {  	[smem:$0x3FB1] =	sst s10  }
0x38: {  	s10 =	sld [smem:$0x3FB2]  }
0x39: {  	_ = 	snop;
	(pc) =	sbr.ind lr, $3  }
0x3a: {  	_ = 	snop  }
0x3b: {  	_ = 	snop  }
0x3c: {  	p2 =	seq.s32 s10, $0x1;
	s10 =	sld [smem:$0x3FB1]  }
0x3d: {  	_ =	shalt  }
0x3e: {  	_ =	shalt  }
0x3f: {  	_ =	shalt  }
0x40: {  	_ =	shalt  }
0x41: {  	_ =	shalt  }
0x42: {  	_ =	shalt  }
0x43: {  	_ =	shalt  }
0x44: {  	_ =	shalt  }
0x45: {  	_ =	shalt  }
0x46: {  	_ =	shalt  }
0x47: {  	_ =	shalt  }
0x48: {  	_ =	shalt  }
0x49: {  	_ =	shalt  }
0x4a: {  	_ =	shalt  }
0x4b: {  	_ =	shalt  }
0x4c: {  	_ =	shalt  }
0x4d: {  	_ =	shalt  }
0x4e: {  	_ =	shalt  }
0x4f: {  	_ =	shalt  }
0x50: {  	_ =	shalt  }
0x51: {  	_ =	shalt  }
0x52: {  	_ =	shalt  }
0x53: {  	_ =	shalt  }
0x54: {  	_ =	shalt  }
0x55: {  	_ =	shalt  }
0x56: {  	_ =	shalt  }
0x57: {  	_ =	shalt  }
0x58: {  	_ =	shalt  }
0x59: {  	_ =	shalt  }
0x5a: {  	_ =	shalt  }
0x5b: {  	_ =	shalt  }
0x5c: {  	_ =	shalt  }
0x5d: {  	_ =	shalt  }
0x5e: {  	_ =	shalt  }
0x5f: {  	_ =	shalt  }
0x60: {  	_ =	shalt  }
0x61: {  	_ =	shalt  }
0x62: {  	_ =	shalt  }
0x63: {  	_ =	shalt  }
0x64: {  	_ =	shalt  }
0x65: {  	_ =	shalt  }
0x66: {  	_ =	shalt  }
0x67: {  	_ =	shalt  }
0x68: {  	_ =	shalt  }
0x69: {  	_ =	shalt  }
0x6a: {  	_ =	shalt  }
0x6b: {  	_ =	shalt  }
0x6c: {  	_ =	shalt  }
0x6d: {  	_ =	shalt  }
0x6e: {  	_ =	shalt  }
0x6f: {  	_ =	shalt  }
0x70: {  	_ =	shalt  }
0x71: {  	_ =	shalt  }
0x72: {  	_ =	shalt  }
0x73: {  	_ =	shalt  }
0x74: {  	_ =	shalt  }
0x75: {  	_ =	shalt  }
0x76: {  	_ =	shalt  }
0x77: {  	_ =	shalt  }
0x78: {  	_ =	shalt  }
0x79: {  	_ =	shalt  }
0x7a: {  	_ =	shalt  }
0x7b: {  	_ =	shalt  }
0x7c: {  	_ =	shalt  }
0x7d: {  	_ =	shalt  }
0x7e: {  	_ =	shalt  }
0x7f: {  	_ =	shalt  }
0x80: {  	_ =	shalt  }
0x81: {  	_ =	shalt  }
0x82: {  	_ =	shalt  }
0x83: {  	_ =	shalt  }
0x84: {  	_ =	shalt  }
0x85: {  	_ =	shalt  }
0x86: {  	_ =	shalt  }
0x87: {  	_ =	shalt  }
.Lfunc_end0:
.L_simem_size_0:
called_computation_lowered:
.L_overlay_start_0:
0x88: {  	s2 =	sld [smem:$0x3FD9]  }
0x89: {  	s3 =	sld [smem:$0x3FFE];
	_ =	sdelay $0x1  }
0x8a: {  	s1 =	srdreg.scid  }
0x8b: {  	s0 =	sand.u32 $0x1, s1  }
0x8c: {  	s16 =	sshll.u32 s0, $0xA;
	s2 =	sadd.s32 s3, s2  }
0x8d: {  	s2 =	sadd.s32 s2, s16  }
0x8e: {  	[smem:$0x3FBD] =	sst s2  }
0x8f: {  	_ = 	snop  }
0x90: {  	(tm) =	ssettm $0x1  }
0x91: {  	s17 =	sld [smem:$0x3FFB];
	_ =	sdelay $0x3  }
0x92: {  	_ =	strace s17  }
0x93: {  	s2 =	sld [smem:$0x3FFC];
	_ =	sdelay $0x3  }
0x94: {  	_ =	strace s2  }
0x95: {  	s2 =	sld [smem:$0x3FFD];
	_ =	sdelay $0x3  }
0x96: {  	_ =	strace s2  }
0x97: {  	_ =	strace $0x8FFFFFFF  }
0x98: {  	s18 =	sld [smem:$0x3FDB];
	_ =	sdelay $0x1  }
0x99: {  	s19 =	simm.s32 $_scs_section_size  }
0x9a: {  	s4 =	simm.s32 $_size__tile_overlayer_lowered;
	s5 =	simm.s32 $_tile_overlayer_lowered  }
0x9b: {  	s22 =	simm.s32 $0x1BFF;
	s21 =	sshll.u32 s5, $0x1;
	s2 =	sadd.s32 s19, s18  }
0x9c: {  	s6 =	simm.s32 $0x0;
	s20 =	sshll.u32 s4, $0x1;
	s4 =	sadd.s32 s21, s2  }
0x9d: {  	[timem:s6], [sflag:s22] =	dma.local [hbm:s4], s20  }
0x9e: {  	_ =	swait.ge [sflag:s22], s20  }
0x9f: {  	s3 =	ssub.s32 $0x0, s20;
	[sflag:s22] =	ssyncset.done $0x0  }
0xa0: {  	[sflag:s22] =	ssyncadd.s32 s3;
	_ =	sdelay $0x1  }
0xa1: {  	s23 =	simm.s32 $0x1B8B  }
0xa2: {  	_ =	swait.ge [sflag:s23], $0x1  }
0xa3: {  	[sflag:s23] =	ssyncset.done $0x0  }
0xa4: {  	s25 =	simm.s32 $0x1B8E;
	s24 =	sld [smem:$0x3FFE];
	[sflag:s23] =	ssyncadd.s32 $0xFFFFFFFF  }
0xa5: {  	s26 =	simm.s32 $execute0_lowered;
	[smem:$0x3FD2] =	sst s25  }
0xa6: {  	s4 =	sshll.u32 s26, $0x1;
	_ =	strace $0x80000046;
	[dreg:$0x1] =	wrdreg $0xFFFFFFFF  }
0xa7: {  	s28 =	simm.s32 $_size_execute0_lowered;
	s2 =	sadd.s32 s2, s4;
	[dreg:$0x0] =	wrdreg $0x0  }
0xa8: {  	s4 =	sshll.u32 s28, $0x1;
	[dreg:$0x2] =	wrdreg s2  }
0xa9: {  	[dreg:$0x3] =	wrdreg s4  }
0xaa: {  	[dreg:$0x4] =	wrdreg $0xC0  }
0xab: {  	_ =	task [dreg:s6], $0x5FFFF  }
0xac: {  	[dreg:$0x1] =	wrdreg $0xFFFFFFFF  }
0xad: {  	[dreg:$0x0] =	wrdreg $0x60  }
0xae: {  	[dreg:$0x2] =	wrdreg s24  }
0xaf: {  	[dreg:$0x3] =	wrdreg $0x9  }
0xb0: {  	_ =	task.clear_ibuf [dreg:s6], $0x4FFFF;
	_ =	strace $0x90000046  }
0xb1: {  	s29 =	simm.s32 $0x9;
	_ =	strace $0x80000048  }
0xb2: {  	_ =	swait.ge [sflag:s29], $0x1  }
0xb3: {  	[sflag:s29] =	ssyncadd.s32 $0xFFFFFFFF  }
0xb4: {  	_ =	strace $0x90000048  }
0xb5: {  	_ =	sfence  }
0xb6: {  	s30 =	sld [smem:$0x0];
	_ =	sdelay $0x2  }
0xb7: {  	s31 =	sshll.u32 s1, $0xD;
	s1 =	sshrl.u32 s1, $0x2  }
0xb8: {  	s3 =	sand.u32 $0x4000, s31;
	s1 =	sadd.s32 s1, s30  }
0xb9: {  	s0 =	sor.u32 s3, s0;
	s1 =	sshll.u32 s1, $0x11  }
0xba: {  	s0 =	sor.u32 s1, s0  }
0xbb: {  	s0 =	sadd.s32 $0x8F2B, s0  }
0xbc: {  	[sflag:s0] =	ssyncadd.remote.s32 $0x1  }
0xbd: {  	_ =	sfence.sel $0xFFFF  }
0xbe: {  	[dreg:$0x0] =	wrdreg $0xFFFFFFFF;
	(pc) =	sbr.abs _section_cstart, $3  }
0xbf: {  	[dreg:$0x1] =	wrdreg $0xFFFFFFFF  }
0xc0: {  	_ =	task.clear_ibuf [dreg:s6], $0x2FFFF;
	_ =	strace $0x9FFFFFFF  }
0xc1: {  	(tm) =	ssettm $0x7FFFFFFF  }
tec
execute0_lowered:
.L_overlay_start_1:
0x0: {  	(tag) =	ssettag $0x1  }
0x1: {  	s1 =	srdreg.scid;
	s0 =	stileid.u32  }
0x2: {  	s18 =	sand.u32 $0x1, s1;
	s30 =	sshll.u32 s0, $0x1  }
0x3: {  	s16 =	sor.u32 s18, s30  }
0x4: {  	s17 =	rddreg [dreg:$0x0];
	s3 =	smul.u32 $0x41, s16  }
0x5: {  	s2 =	simm.s32 $0x0;
	s1 =	rddreg [dreg:$0x1]  }
0x6: {  	[smem:$0x7FF] =	sst s2;
	s19 =	sadd.s32 s3, s17  }
0x7: {  	_ =	strace $0x80000047;
	s3 =	simm.s32 $0x2;
	s4 =	sadd.s32 $0x1600, s19  }
0x8: {  	[tilespmem:s2], [sflag:$0x2] =	stream.linear.gather [hbm4b:s4+s2], $0x208, $0x38;
	[tilespmem:$0x10680] =	vst v63  }
0x9: {  	_ =	swait.ge [sflag:s3], $0x208  }
0xa: {  	s6 =	simm.s32 $0x68;
	[sflag:s3] =	ssyncset.done $0x0  }
0xb: {  	s7 =	simm.s32 $0x280;
	s5 =	sadd.s32 $0x2000, s17;
	[sflag:s3] =	ssyncadd.s32 $0xFFFFFDF8  }
0xc: {  	[tilespmem:s7], [sflag:$0x1] =	stream.indirect.gather [hbm4b:s5+s6], $0x80, s2, s6, $0xb8;
	[tilespmem:$0x10680] =	vst v63  }
0xd: {  	s8 =	simm.s32 $0x3680  }
0xe: {  	[tilespmem:s8], [sflag:$0x1] =	stream.indirect.gather [hbm4b:s5+s6], $0x80, s6, s6, $0xb8;
	[tilespmem:$0x10680] =	vst v63  }
0xf: {  	s9 =	simm.s32 $0xD0;
	s10 =	simm.s32 $0x6A80  }
0x10: {  	[tilespmem:s10], [sflag:$0x1] =	stream.indirect.gather [hbm4b:s5+s6], $0x80, s9, s6, $0xb8;
	[tilespmem:$0x10680] =	vst v63  }
0x11: {  	s11 =	simm.s32 $0x138;
	s12 =	simm.s32 $0x9E80  }
0x12: {  	[tilespmem:s12], [sflag:$0x1] =	stream.indirect.gather [hbm4b:s5+s6], $0x80, s11, s6, $0xb8;
	[tilespmem:$0x10680] =	vst v63  }
0x13: {  	s13 =	simm.s32 $0x1A0;
	s14 =	simm.s32 $0xD280;
	s15 =	simm.s32 $0x1  }
0x14: {  	[tilespmem:s14], [sflag:$0x1] =	stream.indirect.gather [hbm4b:s5+s6], $0x80, s13, s6, $0xb8;
	[tilespmem:$0x10680] =	vst v63  }
0x15: {  	_ =	swait.ge [sflag:s15], $0x3400  }
0x16: {  	[sflag:s15] =	ssyncset.done $0x0  }
0x17: {  	[sflag:s15] =	ssyncadd.s32 $0xFFFFCC00  }
0x18: {  	_ =	swait.ge [sflag:s15], $0x3400  }
0x19: {  	[sflag:s15] =	ssyncset.done $0x0  }
0x1a: {  	[sflag:s15] =	ssyncadd.s32 $0xFFFFCC00  }
0x1b: {  	_ =	swait.ge [sflag:s15], $0x3400  }
0x1c: {  	[sflag:s15] =	ssyncset.done $0x0  }
0x1d: {  	[sflag:s15] =	ssyncadd.s32 $0xFFFFCC00  }
0x1e: {  	_ =	swait.ge [sflag:s15], $0x3400  }
0x1f: {  	[sflag:s15] =	ssyncset.done $0x0  }
0x20: {  	s16 =	smul.u32 $0x2080, s16;
	[sflag:s15] =	ssyncadd.s32 $0xFFFFCC00  }
0x21: {  	_ =	swait.ge [sflag:s15], $0x3400  }
0x22: {  	s20 =	sadd.s32 s16, s17;
	[sflag:s15] =	ssyncset.done $0x0  }
0x23: {  	s16 =	sadd.s32 $0x84000, s20;
	[sflag:s15] =	ssyncadd.s32 $0xFFFFCC00  }
0x24: {  	[hbm4b:s16+s2] =	stream.linear.scatter [tilespmem:s7], [sflag:$0x2], $0x10400, $0x38;
	[tilespmem:$0x10680] =	vst v63  }
0x25: {  	_ =	swait.ge [sflag:s3], $0x10400  }
0x26: {  	[sflag:s3] =	ssyncset.done $0x0  }
0x27: {  	s17 =	sadd.s32 $0xC00, s19;
	[sflag:s3] =	ssyncadd.s32 $0xFFFEFC00  }
0x28: {  	[tilespmem:s2], [sflag:$0x2] =	stream.linear.gather [hbm4b:s17+s2], $0x208, $0x38;
	[tilespmem:$0x10680] =	vst v63  }
0x29: {  	_ =	swait.ge [sflag:s3], $0x208  }
0x2a: {  	[sflag:s3] =	ssyncset.done $0x0  }
0x2b: {  	[sflag:s3] =	ssyncadd.s32 $0xFFFFFDF8  }
0x2c: {  	[tilespmem:s7], [sflag:$0x1] =	stream.indirect.gather [hbm4b:s5+s6], $0x80, s2, s6, $0xb8;
	[tilespmem:$0x10680] =	vst v63  }
0x2d: {  	_ = 	snop  }
0x2e: {  	[tilespmem:s8], [sflag:$0x1] =	stream.indirect.gather [hbm4b:s5+s6], $0x80, s6, s6, $0xb8;
	[tilespmem:$0x10680] =	vst v63  }
0x2f: {  	_ = 	snop  }
0x30: {  	[tilespmem:s10], [sflag:$0x1] =	stream.indirect.gather [hbm4b:s5+s6], $0x80, s9, s6, $0xb8;
	[tilespmem:$0x10680] =	vst v63  }
0x31: {  	_ = 	snop  }
0x32: {  	[tilespmem:s12], [sflag:$0x1] =	stream.indirect.gather [hbm4b:s5+s6], $0x80, s11, s6, $0xb8;
	[tilespmem:$0x10680] =	vst v63  }
0x33: {  	_ = 	snop  }
0x34: {  	[tilespmem:s14], [sflag:$0x1] =	stream.indirect.gather [hbm4b:s5+s6], $0x80, s13, s6, $0xb8;
	[tilespmem:$0x10680] =	vst v63  }
0x35: {  	_ =	swait.ge [sflag:s15], $0x3400  }
0x36: {  	[sflag:s15] =	ssyncset.done $0x0  }
0x37: {  	[sflag:s15] =	ssyncadd.s32 $0xFFFFCC00  }
0x38: {  	_ =	swait.ge [sflag:s15], $0x3400  }
0x39: {  	[sflag:s15] =	ssyncset.done $0x0  }
0x3a: {  	[sflag:s15] =	ssyncadd.s32 $0xFFFFCC00  }
0x3b: {  	_ =	swait.ge [sflag:s15], $0x3400  }
0x3c: {  	[sflag:s15] =	ssyncset.done $0x0  }
0x3d: {  	s18 =	ssub.s32 $0x2, s18;
	[sflag:s15] =	ssyncadd.s32 $0xFFFFCC00  }
0x3e: {  	s31 =	sshrl.u32 s18, $0x1;
	_ =	swait.ge [sflag:s15], $0x3400  }
0x3f: {  	s19 =	ssub.s32 s18, s31;
	[sflag:s15] =	ssyncset.done $0x0  }
0x40: {  	s19 =	smax.u32 s19, $0x1;
	[sflag:s15] =	ssyncadd.s32 $0xFFFFCC00  }
0x41: {  	p0 =	sne.s32 s19, $0x1;
	_ =	swait.ge [sflag:s15], $0x3400  }
.Ltmp0:
0x42: {  	[sflag:s15] =	ssyncset.done $0x0;
	(pc) =	sbr.rel @!p0 .LBB2_2-.Ltmp0, $4  }
0x43: {  	s18 =	sadd.s32 $0x43000, s20;
	[sflag:s15] =	ssyncadd.s32 $0xFFFFCC00  }
0x44: {  	[hbm4b:s18+s2] =	stream.linear.scatter [tilespmem:s7], [sflag:$0x2], $0x10400, $0x38;
	[tilespmem:$0x10680] =	vst v63  }
0x45: {  	_ =	swait.ge [sflag:s3], $0x10400  }
0x46: {  	s19 =	sadd.s32 $0xFFFFFFFF, s19;
	[sflag:s3] =	ssyncset.done $0x0  }
.LBB2_1:
0x47: {  	p0 =	sne.s32 s19, $0x1;
	s19 =	sadd.s32 $0xFFFFFFFF, s19;
	[sflag:s3] =	ssyncadd.s32 $0xFFFEFC00  }
0x48: {  	[tilespmem:s2], [sflag:$0x2] =	stream.linear.gather [hbm4b:s4+s2], $0x208, $0x38;
	[tilespmem:$0x10680] =	vst v63  }
0x49: {  	_ =	swait.ge [sflag:s3], $0x208  }
0x4a: {  	[sflag:s3] =	ssyncset.done $0x0  }
0x4b: {  	[sflag:s3] =	ssyncadd.s32 $0xFFFFFDF8  }
0x4c: {  	[tilespmem:s7], [sflag:$0x1] =	stream.indirect.gather [hbm4b:s5+s6], $0x80, s2, s6, $0xb8;
	[tilespmem:$0x10680] =	vst v63  }
0x4d: {  	_ = 	snop  }
0x4e: {  	[tilespmem:s8], [sflag:$0x1] =	stream.indirect.gather [hbm4b:s5+s6], $0x80, s6, s6, $0xb8;
	[tilespmem:$0x10680] =	vst v63  }
0x4f: {  	_ = 	snop  }
0x50: {  	[tilespmem:s10], [sflag:$0x1] =	stream.indirect.gather [hbm4b:s5+s6], $0x80, s9, s6, $0xb8;
	[tilespmem:$0x10680] =	vst v63  }
0x51: {  	_ = 	snop  }
0x52: {  	[tilespmem:s12], [sflag:$0x1] =	stream.indirect.gather [hbm4b:s5+s6], $0x80, s11, s6, $0xb8;
	[tilespmem:$0x10680] =	vst v63  }
0x53: {  	_ = 	snop  }
0x54: {  	[tilespmem:s14], [sflag:$0x1] =	stream.indirect.gather [hbm4b:s5+s6], $0x80, s13, s6, $0xb8;
	[tilespmem:$0x10680] =	vst v63  }
0x55: {  	_ =	swait.ge [sflag:s15], $0x3400  }
0x56: {  	[sflag:s15] =	ssyncset.done $0x0  }
0x57: {  	[sflag:s15] =	ssyncadd.s32 $0xFFFFCC00  }
0x58: {  	_ =	swait.ge [sflag:s15], $0x3400  }
0x59: {  	[sflag:s15] =	ssyncset.done $0x0  }
0x5a: {  	[sflag:s15] =	ssyncadd.s32 $0xFFFFCC00  }
0x5b: {  	_ =	swait.ge [sflag:s15], $0x3400  }
0x5c: {  	[sflag:s15] =	ssyncset.done $0x0  }
0x5d: {  	[sflag:s15] =	ssyncadd.s32 $0xFFFFCC00  }
0x5e: {  	_ =	swait.ge [sflag:s15], $0x3400  }
0x5f: {  	[sflag:s15] =	ssyncset.done $0x0  }
0x60: {  	[sflag:s15] =	ssyncadd.s32 $0xFFFFCC00  }
0x61: {  	_ =	swait.ge [sflag:s15], $0x3400  }
0x62: {  	[sflag:s15] =	ssyncset.done $0x0  }
0x63: {  	[sflag:s15] =	ssyncadd.s32 $0xFFFFCC00  }
0x64: {  	[hbm4b:s16+s2] =	stream.linear.scatter [tilespmem:s7], [sflag:$0x2], $0x10400, $0x38;
	[tilespmem:$0x10680] =	vst v63  }
0x65: {  	_ =	swait.ge [sflag:s3], $0x10400  }
0x66: {  	[sflag:s3] =	ssyncset.done $0x0  }
0x67: {  	[sflag:s3] =	ssyncadd.s32 $0xFFFEFC00  }
0x68: {  	[tilespmem:s2], [sflag:$0x2] =	stream.linear.gather [hbm4b:s17+s2], $0x208, $0x38;
	[tilespmem:$0x10680] =	vst v63  }
0x69: {  	_ =	swait.ge [sflag:s3], $0x208  }
0x6a: {  	[sflag:s3] =	ssyncset.done $0x0  }
0x6b: {  	[sflag:s3] =	ssyncadd.s32 $0xFFFFFDF8  }
0x6c: {  	[tilespmem:s7], [sflag:$0x1] =	stream.indirect.gather [hbm4b:s5+s6], $0x80, s2, s6, $0xb8;
	[tilespmem:$0x10680] =	vst v63  }
0x6d: {  	_ = 	snop  }
0x6e: {  	[tilespmem:s8], [sflag:$0x1] =	stream.indirect.gather [hbm4b:s5+s6], $0x80, s6, s6, $0xb8;
	[tilespmem:$0x10680] =	vst v63  }
0x6f: {  	_ = 	snop  }
0x70: {  	[tilespmem:s10], [sflag:$0x1] =	stream.indirect.gather [hbm4b:s5+s6], $0x80, s9, s6, $0xb8;
	[tilespmem:$0x10680] =	vst v63  }
0x71: {  	_ = 	snop  }
0x72: {  	[tilespmem:s12], [sflag:$0x1] =	stream.indirect.gather [hbm4b:s5+s6], $0x80, s11, s6, $0xb8;
	[tilespmem:$0x10680] =	vst v63  }
0x73: {  	_ = 	snop  }
0x74: {  	[tilespmem:s14], [sflag:$0x1] =	stream.indirect.gather [hbm4b:s5+s6], $0x80, s13, s6, $0xb8;
	[tilespmem:$0x10680] =	vst v63  }
0x75: {  	_ =	swait.ge [sflag:s15], $0x3400  }
0x76: {  	[sflag:s15] =	ssyncset.done $0x0  }
0x77: {  	[sflag:s15] =	ssyncadd.s32 $0xFFFFCC00  }
0x78: {  	_ =	swait.ge [sflag:s15], $0x3400  }
0x79: {  	[sflag:s15] =	ssyncset.done $0x0  }
0x7a: {  	[sflag:s15] =	ssyncadd.s32 $0xFFFFCC00  }
0x7b: {  	_ =	swait.ge [sflag:s15], $0x3400  }
0x7c: {  	[sflag:s15] =	ssyncset.done $0x0  }
0x7d: {  	[sflag:s15] =	ssyncadd.s32 $0xFFFFCC00  }
0x7e: {  	_ =	swait.ge [sflag:s15], $0x3400  }
0x7f: {  	[sflag:s15] =	ssyncset.done $0x0  }
0x80: {  	[sflag:s15] =	ssyncadd.s32 $0xFFFFCC00  }
0x81: {  	_ =	swait.ge [sflag:s15], $0x3400  }
.Ltmp1:
0x82: {  	[sflag:s15] =	ssyncset.done $0x0;
	(pc) =	sbr.rel @p0 .LBB2_1-.Ltmp1, $4  }
0x83: {  	[sflag:s15] =	ssyncadd.s32 $0xFFFFCC00  }
0x84: {  	[hbm4b:s18+s2] =	stream.linear.scatter [tilespmem:s7], [sflag:$0x2], $0x10400, $0x38;
	[tilespmem:$0x10680] =	vst v63  }
0x85: {  	_ =	swait.ge [sflag:s3], $0x10400  }
0x86: {  	[sflag:s3] =	ssyncset.done $0x0  }
.LBB2_2:
0x87: {  	[sflag:s3] =	ssyncadd.s32 $0xFFFEFC00  }
0x88: {  	_ =	sfence.sel $0x180000  }
0x89: {  	[bflag:$0x0] =	sbarrier.arrive $0xFFFF  }
0x8a: {  	p0 =	sne.s32 s0, $0x0;
	_ =	strace $0x90000047  }
0x8b: {  	s0 =	sadd.s32 @!p0 $0x100000, s1;
	[bflag:$0x2] =	sbarrier.arrive $0xFFFF  }
0x8c: {  	[sflag:s0] =	ssyncadd.tile.s32 @!p0 $0x1;
	_ =	shalt  }
.Lfunc_end2:
_tile_overlayer_lowered:
.L_overlay_start_2:
0x8d: {  	(tag) =	ssettag $0x2  }
0x8e: {  	s0 =	rddreg [dreg:$0x0];
	s2 =	stileid.u32  }
0x8f: {  	s1 =	rddreg [dreg:$0x1];
	p0 =	sne.s32 s2, $0x0  }
0x90: {  	s3 =	rddreg [dreg:$0x2];
	[bflag:$0x3] =	sbarrier.arrive $0xFFFF;
	s2 =	simm.s32 @!p0 $0x1C02  }
0x91: {  	[timem:s3], [sflag:s2] =	dma.local @!p0 [hbm:s0], s1  }
0x92: {  	s0 =	simm.s32 @!p0 $0x2  }
0x93: {  	_ =	swait.ge @!p0 [sflag:s0], s1  }
0x94: {  	s1 =	ssub.s32 @!p0 $0x0, s1;
	[sflag:s0] =	ssyncset.done @!p0 $0x0  }
0x95: {  	[sflag:s0] =	ssyncadd.s32 @!p0 s1  }
0x96: {  	[bflag:$0x3] =	sbarrier.arrive $0xFFFF  }
0x97: {  	_ =	shalt  }

</sc_bundles>
